<compile_context>
chip_gen: v7x
topology: tpu7x:2x2x1
jax: 0.10.2.dev20260603
libtpu: 0.0.44.dev20260713+nightly
codegen_flags: <defaults>
</compile_context>

<pallas_src>
import functools

import jax
import jax.numpy as jnp
from jax import lax
from jax.experimental import pallas as pl
from jax.experimental.pallas import tpu as pltpu
from jax.experimental.pallas import tpu_sc as plsc

N = 10000
E = 160000
D = 256
G = 512

NC, NS, L = 1, 16, 16
NW = NC * NS
SEG_PER_W = G // NW
EB = 128
NBLK = E // EB
BLK_PER_S = 79
EDGE_PER_S = BLK_PER_S * EB
SC_UNROLL = 8
KCH = D // L
N_PAD = 10240
CH = N_PAD // NS
NV_CH = CH // L
BS_STEPS = 14


def _sc_body(ei_ref, batch_ref, hnode_ref, out_ref,
             flags_v, idx_v, batch_v, counts_v, acc_v, row_v,
             tall_v, slots_sh, sem_i, sem_b):
    c = lax.axis_index("c")
    s = lax.axis_index("s")
    wid = c * NS + s
    g0 = (wid * SEG_PER_W).astype(jnp.int32)

    ones16 = jnp.ones((L,), jnp.int32)
    zero16 = jnp.zeros((L,), jnp.int32)

    blk0 = jnp.minimum(s * BLK_PER_S, NBLK - BLK_PER_S)
    idx_cp = pltpu.async_copy(
        ei_ref.at[:, pl.ds(blk0 * EB, EDGE_PER_S)], idx_v, sem_i)
    bat_cp = pltpu.async_copy(batch_ref, batch_v.at[pl.ds(0, N)], sem_b)

    def _zero(j, _):
        for u in range(SC_UNROLL):
            off = pl.multiple_of((j * SC_UNROLL + u) * L, L)
            flags_v[pl.ds(off, L)] = zero16
        return 0
    lax.fori_loop(0, N_PAD // L // SC_UNROLL, _zero, 0)
    idx_cp.wait()

    def _scat(j, _):
        for u in range(SC_UNROLL):
            off = pl.multiple_of((j * SC_UNROLL + u) * L, L)
            v = idx_v[1, pl.ds(off, L)]
            plsc.store_scatter(flags_v, [v], ones16)
        return 0
    lax.fori_loop(0, EDGE_PER_S // L // SC_UNROLL, _scat, 0)

    pub_cp = pltpu.async_copy(flags_v, slots_sh.at[s], sem_i)
    bat_cp.wait()

    def _lower_bound(t):
        def _step(_, lohi):
            lo, hi = lohi
            mid = (lo + hi) // 2
            v = batch_v[pl.ds(mid, L)][0]
            big = v >= t
            lo2 = jnp.where(big, lo, mid + 1)
            hi2 = jnp.where(big, mid, hi)
            done = lo >= hi
            return (jnp.where(done, lo, lo2), jnp.where(done, hi, hi2))
        lo, _hi = lax.fori_loop(0, BS_STEPS, _step, (jnp.int32(0), jnp.int32(N)))
        return lo

    a = _lower_bound(g0)
    b = _lower_bound(g0 + SEG_PER_W)

    pub_cp.wait()
    plsc.subcore_barrier()

    ca = a // CH
    cb = (b + (CH - 1)) // CH

    def _chunk(q, _):
        coff = pl.multiple_of(q * CH, CH)
        pltpu.sync_copy(slots_sh.at[:, pl.ds(coff, CH)], tall_v)

        def _sum(k, _):
            off = pl.multiple_of(k * L, L)
            acc = tall_v[0, pl.ds(off, L)]
            for r in range(1, NS):
                acc = acc + tall_v[r, pl.ds(off, L)]
            counts_v[pl.ds(coff + off, L)] = acc
            return 0
        lax.fori_loop(0, NV_CH, _sum, 0)
        return 0
    lax.fori_loop(ca, cb, _chunk, 0)

    ninf = jnp.full((L,), -jnp.inf, jnp.float32)

    def _init_r(r, _):
        for k in range(KCH):
            acc_v[r, pl.ds(k * L, L)] = ninf
        return 0
    lax.fori_loop(0, SEG_PER_W, _init_r, 0)

    lane = lax.iota(jnp.int32, L)
    jlo = a >> 4
    jhi = (b + (L - 1)) >> 4

    def _nodev(j, _):
        basei = j * L
        cv = counts_v[pl.ds(pl.multiple_of(basei, L), L)]
        iv = lane + basei
        m = (cv == 0) & (iv >= a) & (iv < b)
        npop = jnp.max(plsc.all_reduce_population_count(m))

        @pl.when(npop > 0)
        def _():
            def _lane(l, _):
                i = basei + l
                c0 = counts_v[pl.ds(i, L)][0]

                @pl.when((i >= a) & (i < b) & (c0 == 0))
                def _():
                    rr = batch_v[pl.ds(i, L)][0] - g0
                    pltpu.sync_copy(hnode_ref.at[i], row_v)
                    for k in range(KCH):
                        sl = pl.ds(k * L, L)
                        acc_v[rr, sl] = jnp.maximum(acc_v[rr, sl], row_v[sl])
                return 0
            lax.fori_loop(0, L, _lane, 0)
        return 0
    lax.fori_loop(jlo, jhi, _nodev, 0)

    zf = jnp.zeros((L,), jnp.float32)

    def _fix_r(r, _):
        for k in range(KCH):
            sl = pl.ds(k * L, L)
            x = acc_v[r, sl]
            acc_v[r, sl] = jnp.where(x == ninf, zf, x)
        return 0
    lax.fori_loop(0, SEG_PER_W, _fix_r, 0)

    pltpu.sync_copy(acc_v, out_ref.at[pl.ds(g0, SEG_PER_W)])


_sc_segmax = functools.partial(
    pl.kernel,
    out_type=jax.ShapeDtypeStruct((G, D), jnp.float32),
    mesh=plsc.VectorSubcoreMesh(core_axis_name="c", subcore_axis_name="s",
                                num_cores=NC, num_subcores=NS),
    compiler_params=pltpu.CompilerParams(needs_layout_passes=False),
    scratch_types=[
        pltpu.VMEM((N_PAD,), jnp.int32),
        pltpu.VMEM((2, EDGE_PER_S), jnp.int32),
        pltpu.VMEM((N_PAD,), jnp.int32),
        pltpu.VMEM((N_PAD,), jnp.int32),
        pltpu.VMEM((SEG_PER_W, D), jnp.float32),
        pltpu.VMEM((D,), jnp.float32),
        pltpu.VMEM((NS, CH), jnp.int32),
        pltpu.VMEM_SHARED((NS, N_PAD), jnp.int32),
        pltpu.SemaphoreType.DMA,
        pltpu.SemaphoreType.DMA,
    ],
)(_sc_body)


def _mm_body(h_ref, w_ref, b_ref, o_ref):
    o_ref[:] = lax.dot_general(
        h_ref[:], w_ref[:], (((1,), (1,)), ((), ())),
        preferred_element_type=jnp.float32) + b_ref[:]


def kernel(h_node, edge_index, batch, num_graphs, W, b):
    ei = edge_index.astype(jnp.int32)
    batch32 = batch.astype(jnp.int32)
    h_dag = _sc_segmax(ei, batch32, h_node)
    return pl.pallas_call(
        _mm_body,
        out_shape=jax.ShapeDtypeStruct((G, D), jnp.float32),
    )(h_dag, W, b.reshape(1, D))

# --- scband reference (transcript-rebuilt; emitter-appended) ---
"""Pipeline reference for scband-dag-encoder-7232724927121 (READ-ONLY COPY).

The authoritative reference and input builder live on the scoring server;
editing this copy changes nothing except your own understanding.
"""

import jax, jax.numpy as jnp
import numpy as np


def setup_inputs(seed: int = 0) -> dict:
    key = jax.random.key(seed)
    k1, k2, k3, k4, k5 = jax.random.split(key, 5)
    N, E, D, EMB, G = 10000, 160000, 256, 256, 512
    h_node = jax.random.normal(k1, (N, D), dtype=jnp.float32)
    edge_index = jax.random.randint(k2, (2, E), 0, N, dtype=jnp.int64)
    batch = jnp.sort(jax.random.randint(k3, (N,), 0, G, dtype=jnp.int64))
    num_graphs = G
    # Linear(dim_node_emb=256 -> embed_dim=256) params
    W = jax.random.normal(k4, (EMB, D), dtype=jnp.float32) * (1.0 / np.sqrt(D))
    b = jax.random.normal(k5, (EMB,), dtype=jnp.float32) * 0.01
    return {"h_node": h_node, "edge_index": edge_index, "batch": batch,
            "num_graphs": num_graphs, "W": W, "b": b}


def reference(h_node, edge_index, batch, num_graphs, W, b):
    N = h_node.shape[0]
    NUM_GRAPHS = 512  # static value always passed by setup_inputs
    # index_to_mask(edge_index[1], N): True where node is a destination of some edge
    is_dst = jnp.zeros((N,), dtype=bool).at[edge_index[1]].set(True)
    terminal_mask = ~is_dst  # terminal nodes have no outgoing... (no incoming edge as dst)
    # global_max_pool(h_node[terminal_mask], batch[terminal_mask], size=num_graphs)
    # Equivalent masked formulation: set non-terminal rows to -inf, segment_max over all nodes.
    h_masked = jnp.where(terminal_mask[:, None], h_node, -jnp.inf)
    segment_ids = batch + 0 * num_graphs
    seg = jax.ops.segment_max(h_masked, segment_ids, num_segments=NUM_GRAPHS)
    # PyG scatter-max leaves empty segments at 0
    h_dag = jnp.where(jnp.isfinite(seg), seg, 0.0)
    # Linear layer
    return h_dag @ W.T + b

if __name__ == "__main__":
    import jax
    _d = setup_inputs()
    print(jax.jit(kernel)(*tuple(_d.values())))

</pallas_src>

<mosaic_0001>
#map = affine_map<(d0, d1) -> (0, 0)>
#map1 = affine_map<(d0, d1) -> (0)>
module attributes {stable_mosaic.version = 14 : i64} {
  func.func @_sc_body(%arg0: i32, %arg1: i32, %arg2: memref<2x160000xi32, #tpu.memory_space<hbm>>, %arg3: memref<10000xi32, #tpu.memory_space<hbm>>, %arg4: memref<10000x256xf32, #tpu.memory_space<hbm>>, %arg5: memref<512x256xf32, #tpu.memory_space<hbm>>, %arg6: memref<10240xi32, #tpu.memory_space<vmem>>, %arg7: memref<2x10112xi32, #tpu.memory_space<vmem>>, %arg8: memref<10240xi32, #tpu.memory_space<vmem>>, %arg9: memref<10240xi32, #tpu.memory_space<vmem>>, %arg10: memref<32x256xf32, #tpu.memory_space<vmem>>, %arg11: memref<256xf32, #tpu.memory_space<vmem>>, %arg12: memref<16x640xi32, #tpu.memory_space<vmem>>, %arg13: memref<16x10240xi32, #tpu.memory_space<vmem_shared>>, %arg14: memref<!tpu.dma_semaphore, #tpu.memory_space<semaphore_mem>>, %arg15: memref<!tpu.dma_semaphore, #tpu.memory_space<semaphore_mem>>) attributes {dimension_semantics = [#tpu.dimension_semantics<core_parallel>, #tpu.dimension_semantics<subcore_parallel>], iteration_bounds = array<i64: 1, 16>, scalar_prefetch = 0 : i64, scratch_operands = 10 : i64, tpu.core_type = #tpu.core_type<sc_vector_subcore>, window_params = [{transform_indices = #map}, {transform_indices = #map1}, {transform_indices = #map}, {transform_indices = #map}]} {
    %mul3A = arith.constant 16 : i32
    %mul3A_0 = arith.muli %arg0, %mul3A : i32
    %add3A = arith.addi %mul3A_0, %arg1 : i32
    %mul3A_1 = arith.constant 32 : i32
    %mul3A_2 = arith.muli %add3A, %mul3A_1 : i32
    %broadcast_in_dim3A = arith.constant 1 : i32
    %broadcast_in_dim3A_3 = vector.broadcast %broadcast_in_dim3A : i32 to vector<16xi32>
    %broadcast_in_dim3A_4 = arith.constant 0 : i32
    %broadcast_in_dim3A_5 = vector.broadcast %broadcast_in_dim3A_4 : i32 to vector<16xi32>
    %mul3A_6 = arith.constant 79 : i32
    %mul3A_7 = arith.muli %arg1, %mul3A_6 : i32
    %min3A = arith.constant 1171 : i32
    %min3A_8 = arith.minsi %mul3A_7, %min3A : i32
    %mul3A_9 = arith.constant 128 : i32
    %mul3A_10 = arith.muli %min3A_8, %mul3A_9 : i32
    %dma_start3A = arith.constant 0 : i32
    %dma_start3A_11 = tpu.memref_slice %arg2[%dma_start3A, %mul3A_10] : memref<2x160000xi32, #tpu.memory_space<hbm>> -> memref<2x10112xi32, #tpu.memory_space<hbm>>
    %dma_start3A_12 = arith.constant 0 : i32
    %dma_start3A_13 = tpu.memref_slice %arg2[%dma_start3A_12, %mul3A_10] : memref<2x160000xi32, #tpu.memory_space<hbm>> -> memref<2x10112xi32, #tpu.memory_space<hbm>>
    tpu.enqueue_dma source(%dma_start3A_13 : memref<2x10112xi32, #tpu.memory_space<hbm>>) target(%arg7 : memref<2x10112xi32, #tpu.memory_space<vmem>>) target_semaphore(%arg14 : memref<!tpu.dma_semaphore, #tpu.memory_space<semaphore_mem>>)
    %dma_start3A_14 = arith.constant 0 : i32
    %dma_start3A_15 = tpu.memref_slice %arg8[%dma_start3A_14] : memref<10240xi32, #tpu.memory_space<vmem>> -> memref<10000xi32, #tpu.memory_space<vmem>>
    %dma_start3A_16 = arith.constant 0 : i32
    %dma_start3A_17 = tpu.memref_slice %arg8[%dma_start3A_16] : memref<10240xi32, #tpu.memory_space<vmem>> -> memref<10000xi32, #tpu.memory_space<vmem>>
    tpu.enqueue_dma source(%arg3 : memref<10000xi32, #tpu.memory_space<hbm>>) target(%dma_start3A_17 : memref<10000xi32, #tpu.memory_space<vmem>>) target_semaphore(%arg15 : memref<!tpu.dma_semaphore, #tpu.memory_space<semaphore_mem>>)
    %scan3A = arith.constant 0 : i32
    %scan3A_18 = arith.constant 0 : i32
    %scan3A_19 = arith.constant 80 : i32
    %scan3A_20 = arith.addi %scan3A_18, %scan3A_19 : i32
    %scan3A_21 = arith.constant 1 : i32
    %scan3A_22 = scf.for %scan3A_154 = %scan3A_18 to %scan3A_20 step %scan3A_21 iter_args(%scan3A_155 = %scan3A) -> (i32)  : i32 {
      %mul3A_156 = arith.constant 8 : i32
      %mul3A_157 = arith.muli %scan3A_154, %mul3A_156 : i32
      %add3A_158 = arith.constant 0 : i32
      %add3A_159 = arith.addi %mul3A_157, %add3A_158 : i32
      %mul3A_160 = arith.constant 16 : i32
      %mul3A_161 = arith.muli %add3A_159, %mul3A_160 : i32
      %multiple_of3A = tpu.assume_multiple %mul3A_161, 16 : i32
      %swap3A = arith.index_cast %multiple_of3A : i32 to index
      %swap3A_162 = tpu.vector_load %arg6[%swap3A] {strides = array<i32>} : memref<10240xi32, #tpu.memory_space<vmem>>, vector<16xi32>,
      tpu.vector_store %arg6[%swap3A], %broadcast_in_dim3A_5 {strides = array<i32>} : memref<10240xi32, #tpu.memory_space<vmem>>, vector<16xi32>,
      %mul3A_163 = arith.constant 8 : i32
      %mul3A_164 = arith.muli %scan3A_154, %mul3A_163 : i32
      %add3A_165 = arith.constant 1 : i32
      %add3A_166 = arith.addi %mul3A_164, %add3A_165 : i32
      %mul3A_167 = arith.constant 16 : i32
      %mul3A_168 = arith.muli %add3A_166, %mul3A_167 : i32
      %multiple_of3A_169 = tpu.assume_multiple %mul3A_168, 16 : i32
      %swap3A_170 = arith.index_cast %multiple_of3A_169 : i32 to index
      %swap3A_171 = tpu.vector_load %arg6[%swap3A_170] {strides = array<i32>} : memref<10240xi32, #tpu.memory_space<vmem>>, vector<16xi32>,
      tpu.vector_store %arg6[%swap3A_170], %broadcast_in_dim3A_5 {strides = array<i32>} : memref<10240xi32, #tpu.memory_space<vmem>>, vector<16xi32>,
      %mul3A_172 = arith.constant 8 : i32
      %mul3A_173 = arith.muli %scan3A_154, %mul3A_172 : i32
      %add3A_174 = arith.constant 2 : i32
      %add3A_175 = arith.addi %mul3A_173, %add3A_174 : i32
      %mul3A_176 = arith.constant 16 : i32
      %mul3A_177 = arith.muli %add3A_175, %mul3A_176 : i32
      %multiple_of3A_178 = tpu.assume_multiple %mul3A_177, 16 : i32
      %swap3A_179 = arith.index_cast %multiple_of3A_178 : i32 to index
      %swap3A_180 = tpu.vector_load %arg6[%swap3A_179] {strides = array<i32>} : memref<10240xi32, #tpu.memory_space<vmem>>, vector<16xi32>,
      tpu.vector_store %arg6[%swap3A_179], %broadcast_in_dim3A_5 {strides = array<i32>} : memref<10240xi32, #tpu.memory_space<vmem>>, vector<16xi32>,
      %mul3A_181 = arith.constant 8 : i32
      %mul3A_182 = arith.muli %scan3A_154, %mul3A_181 : i32
      %add3A_183 = arith.constant 3 : i32
      %add3A_184 = arith.addi %mul3A_182, %add3A_183 : i32
      %mul3A_185 = arith.constant 16 : i32
      %mul3A_186 = arith.muli %add3A_184, %mul3A_185 : i32
      %multiple_of3A_187 = tpu.assume_multiple %mul3A_186, 16 : i32
      %swap3A_188 = arith.index_cast %multiple_of3A_187 : i32 to index
      %swap3A_189 = tpu.vector_load %arg6[%swap3A_188] {strides = array<i32>} : memref<10240xi32, #tpu.memory_space<vmem>>, vector<16xi32>,
      tpu.vector_store %arg6[%swap3A_188], %broadcast_in_dim3A_5 {strides = array<i32>} : memref<10240xi32, #tpu.memory_space<vmem>>, vector<16xi32>,
      %mul3A_190 = arith.constant 8 : i32
      %mul3A_191 = arith.muli %scan3A_154, %mul3A_190 : i32
      %add3A_192 = arith.constant 4 : i32
      %add3A_193 = arith.addi %mul3A_191, %add3A_192 : i32
      %mul3A_194 = arith.constant 16 : i32
      %mul3A_195 = arith.muli %add3A_193, %mul3A_194 : i32
      %multiple_of3A_196 = tpu.assume_multiple %mul3A_195, 16 : i32
      %swap3A_197 = arith.index_cast %multiple_of3A_196 : i32 to index
      %swap3A_198 = tpu.vector_load %arg6[%swap3A_197] {strides = array<i32>} : memref<10240xi32, #tpu.memory_space<vmem>>, vector<16xi32>,
      tpu.vector_store %arg6[%swap3A_197], %broadcast_in_dim3A_5 {strides = array<i32>} : memref<10240xi32, #tpu.memory_space<vmem>>, vector<16xi32>,
      %mul3A_199 = arith.constant 8 : i32
      %mul3A_200 = arith.muli %scan3A_154, %mul3A_199 : i32
      %add3A_201 = arith.constant 5 : i32
      %add3A_202 = arith.addi %mul3A_200, %add3A_201 : i32
      %mul3A_203 = arith.constant 16 : i32
      %mul3A_204 = arith.muli %add3A_202, %mul3A_203 : i32
      %multiple_of3A_205 = tpu.assume_multiple %mul3A_204, 16 : i32
      %swap3A_206 = arith.index_cast %multiple_of3A_205 : i32 to index
      %swap3A_207 = tpu.vector_load %arg6[%swap3A_206] {strides = array<i32>} : memref<10240xi32, #tpu.memory_space<vmem>>, vector<16xi32>,
      tpu.vector_store %arg6[%swap3A_206], %broadcast_in_dim3A_5 {strides = array<i32>} : memref<10240xi32, #tpu.memory_space<vmem>>, vector<16xi32>,
      %mul3A_208 = arith.constant 8 : i32
      %mul3A_209 = arith.muli %scan3A_154, %mul3A_208 : i32
      %add3A_210 = arith.constant 6 : i32
      %add3A_211 = arith.addi %mul3A_209, %add3A_210 : i32
      %mul3A_212 = arith.constant 16 : i32
      %mul3A_213 = arith.muli %add3A_211, %mul3A_212 : i32
      %multiple_of3A_214 = tpu.assume_multiple %mul3A_213, 16 : i32
      %swap3A_215 = arith.index_cast %multiple_of3A_214 : i32 to index
      %swap3A_216 = tpu.vector_load %arg6[%swap3A_215] {strides = array<i32>} : memref<10240xi32, #tpu.memory_space<vmem>>, vector<16xi32>,
      tpu.vector_store %arg6[%swap3A_215], %broadcast_in_dim3A_5 {strides = array<i32>} : memref<10240xi32, #tpu.memory_space<vmem>>, vector<16xi32>,
      %mul3A_217 = arith.constant 8 : i32
      %mul3A_218 = arith.muli %scan3A_154, %mul3A_217 : i32
      %add3A_219 = arith.constant 7 : i32
      %add3A_220 = arith.addi %mul3A_218, %add3A_219 : i32
      %mul3A_221 = arith.constant 16 : i32
      %mul3A_222 = arith.muli %add3A_220, %mul3A_221 : i32
      %multiple_of3A_223 = tpu.assume_multiple %mul3A_222, 16 : i32
      %swap3A_224 = arith.index_cast %multiple_of3A_223 : i32 to index
      %swap3A_225 = tpu.vector_load %arg6[%swap3A_224] {strides = array<i32>} : memref<10240xi32, #tpu.memory_space<vmem>>, vector<16xi32>,
      tpu.vector_store %arg6[%swap3A_224], %broadcast_in_dim3A_5 {strides = array<i32>} : memref<10240xi32, #tpu.memory_space<vmem>>, vector<16xi32>,
      %scan3A_226 = arith.constant 0 : i32
      scf.yield %scan3A_226 : i32
    }
    %scan3A_23 = arith.constant 80 : i32
    %dma_wait3A = arith.constant 0 : i32
    %dma_wait3A_24 = tpu.memref_slice %arg2[%dma_wait3A, %mul3A_10] : memref<2x160000xi32, #tpu.memory_space<hbm>> -> memref<2x10112xi32, #tpu.memory_space<hbm>>
    %dma_wait3A_25 = arith.constant 0 : i32
    %dma_wait3A_26 = tpu.memref_slice %arg2[%dma_wait3A_25, %mul3A_10] : memref<2x160000xi32, #tpu.memory_space<hbm>> -> memref<2x10112xi32, #tpu.memory_space<hbm>>
    tpu.wait_dma2 semaphore(%arg14 : memref<!tpu.dma_semaphore, #tpu.memory_space<semaphore_mem>>) src(%dma_wait3A_26 : memref<2x10112xi32, #tpu.memory_space<hbm>>) dst(%arg7 : memref<2x10112xi32, #tpu.memory_space<vmem>>)
    %scan3A_27 = arith.constant 0 : i32
    %scan3A_28 = arith.constant 0 : i32
    %scan3A_29 = arith.constant 79 : i32
    %scan3A_30 = arith.addi %scan3A_28, %scan3A_29 : i32
    %scan3A_31 = arith.constant 1 : i32
    %scan3A_32 = scf.for %scan3A_154 = %scan3A_28 to %scan3A_30 step %scan3A_31 iter_args(%scan3A_155 = %scan3A_27) -> (i32)  : i32 {
      %mul3A_156 = arith.constant 8 : i32
      %mul3A_157 = arith.muli %scan3A_154, %mul3A_156 : i32
      %add3A_158 = arith.constant 0 : i32
      %add3A_159 = arith.addi %mul3A_157, %add3A_158 : i32
      %mul3A_160 = arith.constant 16 : i32
      %mul3A_161 = arith.muli %add3A_159, %mul3A_160 : i32
      %multiple_of3A = tpu.assume_multiple %mul3A_161, 16 : i32
      %get3A = arith.constant 1 : i32
      %get3A_162 = arith.index_cast %get3A : i32 to index
      %get3A_163 = arith.index_cast %multiple_of3A : i32 to index
      %get3A_164 = tpu.vector_load %arg7[%get3A_162, %get3A_163] {strides = array<i32>} : memref<2x10112xi32, #tpu.memory_space<vmem>>, vector<16xi32>,
      tpu.vector_store_idx %arg6[%get3A_164], %broadcast_in_dim3A_3 : memref<10240xi32, #tpu.memory_space<vmem>>[vector<16xi32>], vector<16xi32>,
      %mul3A_165 = arith.constant 8 : i32
      %mul3A_166 = arith.muli %scan3A_154, %mul3A_165 : i32
      %add3A_167 = arith.constant 1 : i32
      %add3A_168 = arith.addi %mul3A_166, %add3A_167 : i32
      %mul3A_169 = arith.constant 16 : i32
      %mul3A_170 = arith.muli %add3A_168, %mul3A_169 : i32
      %multiple_of3A_171 = tpu.assume_multiple %mul3A_170, 16 : i32
      %get3A_172 = arith.constant 1 : i32
      %get3A_173 = arith.index_cast %get3A_172 : i32 to index
      %get3A_174 = arith.index_cast %multiple_of3A_171 : i32 to index
      %get3A_175 = tpu.vector_load %arg7[%get3A_173, %get3A_174] {strides = array<i32>} : memref<2x10112xi32, #tpu.memory_space<vmem>>, vector<16xi32>,
      tpu.vector_store_idx %arg6[%get3A_175], %broadcast_in_dim3A_3 : memref<10240xi32, #tpu.memory_space<vmem>>[vector<16xi32>], vector<16xi32>,
      %mul3A_176 = arith.constant 8 : i32
      %mul3A_177 = arith.muli %scan3A_154, %mul3A_176 : i32
      %add3A_178 = arith.constant 2 : i32
      %add3A_179 = arith.addi %mul3A_177, %add3A_178 : i32
      %mul3A_180 = arith.constant 16 : i32
      %mul3A_181 = arith.muli %add3A_179, %mul3A_180 : i32
      %multiple_of3A_182 = tpu.assume_multiple %mul3A_181, 16 : i32
      %get3A_183 = arith.constant 1 : i32
      %get3A_184 = arith.index_cast %get3A_183 : i32 to index
      %get3A_185 = arith.index_cast %multiple_of3A_182 : i32 to index
      %get3A_186 = tpu.vector_load %arg7[%get3A_184, %get3A_185] {strides = array<i32>} : memref<2x10112xi32, #tpu.memory_space<vmem>>, vector<16xi32>,
      tpu.vector_store_idx %arg6[%get3A_186], %broadcast_in_dim3A_3 : memref<10240xi32, #tpu.memory_space<vmem>>[vector<16xi32>], vector<16xi32>,
      %mul3A_187 = arith.constant 8 : i32
      %mul3A_188 = arith.muli %scan3A_154, %mul3A_187 : i32
      %add3A_189 = arith.constant 3 : i32
      %add3A_190 = arith.addi %mul3A_188, %add3A_189 : i32
      %mul3A_191 = arith.constant 16 : i32
      %mul3A_192 = arith.muli %add3A_190, %mul3A_191 : i32
      %multiple_of3A_193 = tpu.assume_multiple %mul3A_192, 16 : i32
      %get3A_194 = arith.constant 1 : i32
      %get3A_195 = arith.index_cast %get3A_194 : i32 to index
      %get3A_196 = arith.index_cast %multiple_of3A_193 : i32 to index
      %get3A_197 = tpu.vector_load %arg7[%get3A_195, %get3A_196] {strides = array<i32>} : memref<2x10112xi32, #tpu.memory_space<vmem>>, vector<16xi32>,
      tpu.vector_store_idx %arg6[%get3A_197], %broadcast_in_dim3A_3 : memref<10240xi32, #tpu.memory_space<vmem>>[vector<16xi32>], vector<16xi32>,
      %mul3A_198 = arith.constant 8 : i32
      %mul3A_199 = arith.muli %scan3A_154, %mul3A_198 : i32
      %add3A_200 = arith.constant 4 : i32
      %add3A_201 = arith.addi %mul3A_199, %add3A_200 : i32
      %mul3A_202 = arith.constant 16 : i32
      %mul3A_203 = arith.muli %add3A_201, %mul3A_202 : i32
      %multiple_of3A_204 = tpu.assume_multiple %mul3A_203, 16 : i32
      %get3A_205 = arith.constant 1 : i32
      %get3A_206 = arith.index_cast %get3A_205 : i32 to index
      %get3A_207 = arith.index_cast %multiple_of3A_204 : i32 to index
      %get3A_208 = tpu.vector_load %arg7[%get3A_206, %get3A_207] {strides = array<i32>} : memref<2x10112xi32, #tpu.memory_space<vmem>>, vector<16xi32>,
      tpu.vector_store_idx %arg6[%get3A_208], %broadcast_in_dim3A_3 : memref<10240xi32, #tpu.memory_space<vmem>>[vector<16xi32>], vector<16xi32>,
      %mul3A_209 = arith.constant 8 : i32
      %mul3A_210 = arith.muli %scan3A_154, %mul3A_209 : i32
      %add3A_211 = arith.constant 5 : i32
      %add3A_212 = arith.addi %mul3A_210, %add3A_211 : i32
      %mul3A_213 = arith.constant 16 : i32
      %mul3A_214 = arith.muli %add3A_212, %mul3A_213 : i32
      %multiple_of3A_215 = tpu.assume_multiple %mul3A_214, 16 : i32
      %get3A_216 = arith.constant 1 : i32
      %get3A_217 = arith.index_cast %get3A_216 : i32 to index
      %get3A_218 = arith.index_cast %multiple_of3A_215 : i32 to index
      %get3A_219 = tpu.vector_load %arg7[%get3A_217, %get3A_218] {strides = array<i32>} : memref<2x10112xi32, #tpu.memory_space<vmem>>, vector<16xi32>,
      tpu.vector_store_idx %arg6[%get3A_219], %broadcast_in_dim3A_3 : memref<10240xi32, #tpu.memory_space<vmem>>[vector<16xi32>], vector<16xi32>,
      %mul3A_220 = arith.constant 8 : i32
      %mul3A_221 = arith.muli %scan3A_154, %mul3A_220 : i32
      %add3A_222 = arith.constant 6 : i32
      %add3A_223 = arith.addi %mul3A_221, %add3A_222 : i32
      %mul3A_224 = arith.constant 16 : i32
      %mul3A_225 = arith.muli %add3A_223, %mul3A_224 : i32
      %multiple_of3A_226 = tpu.assume_multiple %mul3A_225, 16 : i32
      %get3A_227 = arith.constant 1 : i32
      %get3A_228 = arith.index_cast %get3A_227 : i32 to index
      %get3A_229 = arith.index_cast %multiple_of3A_226 : i32 to index
      %get3A_230 = tpu.vector_load %arg7[%get3A_228, %get3A_229] {strides = array<i32>} : memref<2x10112xi32, #tpu.memory_space<vmem>>, vector<16xi32>,
      tpu.vector_store_idx %arg6[%get3A_230], %broadcast_in_dim3A_3 : memref<10240xi32, #tpu.memory_space<vmem>>[vector<16xi32>], vector<16xi32>,
      %mul3A_231 = arith.constant 8 : i32
      %mul3A_232 = arith.muli %scan3A_154, %mul3A_231 : i32
      %add3A_233 = arith.constant 7 : i32
      %add3A_234 = arith.addi %mul3A_232, %add3A_233 : i32
      %mul3A_235 = arith.constant 16 : i32
      %mul3A_236 = arith.muli %add3A_234, %mul3A_235 : i32
      %multiple_of3A_237 = tpu.assume_multiple %mul3A_236, 16 : i32
      %get3A_238 = arith.constant 1 : i32
      %get3A_239 = arith.index_cast %get3A_238 : i32 to index
      %get3A_240 = arith.index_cast %multiple_of3A_237 : i32 to index
      %get3A_241 = tpu.vector_load %arg7[%get3A_239, %get3A_240] {strides = array<i32>} : memref<2x10112xi32, #tpu.memory_space<vmem>>, vector<16xi32>,
      tpu.vector_store_idx %arg6[%get3A_241], %broadcast_in_dim3A_3 : memref<10240xi32, #tpu.memory_space<vmem>>[vector<16xi32>], vector<16xi32>,
      %scan3A_242 = arith.constant 0 : i32
      scf.yield %scan3A_242 : i32
    }
    %scan3A_33 = arith.constant 79 : i32
    %dma_start3A_34 = arith.constant 0 : i32
    %dma_start3A_35 = tpu.memref_slice %arg13[%arg1, %dma_start3A_34] : memref<16x10240xi32, #tpu.memory_space<vmem_shared>> -> memref<1x10240xi32, #tpu.memory_space<vmem_shared>>
    %dma_start3A_36 = tpu.memref_squeeze %dma_start3A_35 : memref<1x10240xi32, #tpu.memory_space<vmem_shared>> -> memref<10240xi32, #tpu.memory_space<vmem_shared>>
    %dma_start3A_37 = arith.constant 0 : i32
    %dma_start3A_38 = tpu.memref_slice %arg13[%arg1, %dma_start3A_37] : memref<16x10240xi32, #tpu.memory_space<vmem_shared>> -> memref<1x10240xi32, #tpu.memory_space<vmem_shared>>
    %dma_start3A_39 = tpu.memref_squeeze %dma_start3A_38 : memref<1x10240xi32, #tpu.memory_space<vmem_shared>> -> memref<10240xi32, #tpu.memory_space<vmem_shared>>
    tpu.enqueue_dma source(%arg6 : memref<10240xi32, #tpu.memory_space<vmem>>) target(%dma_start3A_39 : memref<10240xi32, #tpu.memory_space<vmem_shared>>) target_semaphore(%arg14 : memref<!tpu.dma_semaphore, #tpu.memory_space<semaphore_mem>>)
    %dma_wait3A_40 = arith.constant 0 : i32
    %dma_wait3A_41 = tpu.memref_slice %arg8[%dma_wait3A_40] : memref<10240xi32, #tpu.memory_space<vmem>> -> memref<10000xi32, #tpu.memory_space<vmem>>
    %dma_wait3A_42 = arith.constant 0 : i32
    %dma_wait3A_43 = tpu.memref_slice %arg8[%dma_wait3A_42] : memref<10240xi32, #tpu.memory_space<vmem>> -> memref<10000xi32, #tpu.memory_space<vmem>>
    tpu.wait_dma2 semaphore(%arg15 : memref<!tpu.dma_semaphore, #tpu.memory_space<semaphore_mem>>) src(%arg3 : memref<10000xi32, #tpu.memory_space<hbm>>) dst(%dma_wait3A_43 : memref<10000xi32, #tpu.memory_space<vmem>>)
    %scan3A_44 = arith.constant 0 : i32
    %scan3A_45 = arith.constant 10000 : i32
    %scan3A_46 = arith.constant 0 : i32
    %scan3A_47 = arith.constant 14 : i32
    %scan3A_48 = arith.addi %scan3A_46, %scan3A_47 : i32
    %scan3A_49 = arith.constant 1 : i32
    %scan3A_50:2 = scf.for %scan3A_154 = %scan3A_46 to %scan3A_48 step %scan3A_49 iter_args(%scan3A_155 = %scan3A_44, %scan3A_156 = %scan3A_45) -> (i32, i32)  : i32 {
      %add3A_157 = arith.addi %scan3A_155, %scan3A_156 : i32
      %jit3A_158 = arith.constant 2 : i32
      %div3A_159 = arith.divsi %add3A_157, %jit3A_158 : i32
      %sign3A_160 = arith.constant 0 : i32
      %sign3A_161 = arith.cmpi sgt, %add3A_157, %sign3A_160 : i32
      %sign3A_162 = arith.extui %sign3A_161 : i1 to i32
      %sign3A_163 = arith.constant 0 : i32
      %sign3A_164 = arith.cmpi slt, %add3A_157, %sign3A_163 : i32
      %sign3A_165 = arith.extui %sign3A_164 : i1 to i32
      %sign3A_166 = arith.subi %sign3A_162, %sign3A_165 : i32
      %sign3A_167 = arith.constant 0 : i32
      %sign3A_168 = arith.cmpi sgt, %jit3A_158, %sign3A_167 : i32
      %sign3A_169 = arith.extui %sign3A_168 : i1 to i32
      %sign3A_170 = arith.constant 0 : i32
      %sign3A_171 = arith.cmpi slt, %jit3A_158, %sign3A_170 : i32
      %sign3A_172 = arith.extui %sign3A_171 : i1 to i32
      %sign3A_173 = arith.subi %sign3A_169, %sign3A_172 : i32
      %ne3A_174 = arith.cmpi ne, %sign3A_166, %sign3A_173 : i32
      %rem3A_175 = arith.remsi %add3A_157, %jit3A_158 : i32
      %ne3A_176 = arith.constant 0 : i32
      %ne3A_177 = arith.cmpi ne, %rem3A_175, %ne3A_176 : i32
      %and3A_178 = arith.andi %ne3A_174, %ne3A_177 : i1
      %sub3A_179 = arith.constant 1 : i32
      %sub3A_180 = arith.subi %div3A_159, %sub3A_179 : i32
      %select_n3A_181 = arith.select %and3A_178, %sub3A_180, %div3A_159 : i32
      %get3A = arith.index_cast %select_n3A_181 : i32 to index
      %get3A_182 = tpu.vector_load %arg8[%get3A] {strides = array<i32>} : memref<10240xi32, #tpu.memory_space<vmem>>, vector<16xi32>,
      %slice3A = vector.extract_strided_slice %get3A_182 {offsets = [0], sizes = [1], strides = [1]} : vector<16xi32> to vector<1xi32>
      %squeeze3A = vector.extract %slice3A[0] : i32 from vector<1xi32>
      %ge3A = arith.cmpi sge, %squeeze3A, %mul3A_2 : i32
      %add3A_183 = arith.constant 1 : i32
      %add3A_184 = arith.addi %select_n3A_181, %add3A_183 : i32
      %select_n3A_185 = arith.select %ge3A, %scan3A_155, %add3A_184 : i32
      %select_n3A_186 = arith.select %ge3A, %select_n3A_181, %scan3A_156 : i32
      %ge3A_187 = arith.cmpi sge, %scan3A_155, %scan3A_156 : i32
      %select_n3A_188 = arith.select %ge3A_187, %scan3A_155, %select_n3A_185 : i32
      %select_n3A_189 = arith.select %ge3A_187, %scan3A_156, %select_n3A_186 : i32
      scf.yield %select_n3A_188, %select_n3A_189 : i32, i32
    }
    %scan3A_51 = arith.constant 14 : i32
    %add3A_52 = arith.constant 32 : i32
    %add3A_53 = arith.addi %mul3A_2, %add3A_52 : i32
    %scan3A_54 = arith.constant 0 : i32
    %scan3A_55 = arith.constant 10000 : i32
    %scan3A_56 = arith.constant 0 : i32
    %scan3A_57 = arith.constant 14 : i32
    %scan3A_58 = arith.addi %scan3A_56, %scan3A_57 : i32
    %scan3A_59 = arith.constant 1 : i32
    %scan3A_60:2 = scf.for %scan3A_154 = %scan3A_56 to %scan3A_58 step %scan3A_59 iter_args(%scan3A_155 = %scan3A_54, %scan3A_156 = %scan3A_55) -> (i32, i32)  : i32 {
      %add3A_157 = arith.addi %scan3A_155, %scan3A_156 : i32
      %jit3A_158 = arith.constant 2 : i32
      %div3A_159 = arith.divsi %add3A_157, %jit3A_158 : i32
      %sign3A_160 = arith.constant 0 : i32
      %sign3A_161 = arith.cmpi sgt, %add3A_157, %sign3A_160 : i32
      %sign3A_162 = arith.extui %sign3A_161 : i1 to i32
      %sign3A_163 = arith.constant 0 : i32
      %sign3A_164 = arith.cmpi slt, %add3A_157, %sign3A_163 : i32
      %sign3A_165 = arith.extui %sign3A_164 : i1 to i32
      %sign3A_166 = arith.subi %sign3A_162, %sign3A_165 : i32
      %sign3A_167 = arith.constant 0 : i32
      %sign3A_168 = arith.cmpi sgt, %jit3A_158, %sign3A_167 : i32
      %sign3A_169 = arith.extui %sign3A_168 : i1 to i32
      %sign3A_170 = arith.constant 0 : i32
      %sign3A_171 = arith.cmpi slt, %jit3A_158, %sign3A_170 : i32
      %sign3A_172 = arith.extui %sign3A_171 : i1 to i32
      %sign3A_173 = arith.subi %sign3A_169, %sign3A_172 : i32
      %ne3A_174 = arith.cmpi ne, %sign3A_166, %sign3A_173 : i32
      %rem3A_175 = arith.remsi %add3A_157, %jit3A_158 : i32
      %ne3A_176 = arith.constant 0 : i32
      %ne3A_177 = arith.cmpi ne, %rem3A_175, %ne3A_176 : i32
      %and3A_178 = arith.andi %ne3A_174, %ne3A_177 : i1
      %sub3A_179 = arith.constant 1 : i32
      %sub3A_180 = arith.subi %div3A_159, %sub3A_179 : i32
      %select_n3A_181 = arith.select %and3A_178, %sub3A_180, %div3A_159 : i32
      %get3A = arith.index_cast %select_n3A_181 : i32 to index
      %get3A_182 = tpu.vector_load %arg8[%get3A] {strides = array<i32>} : memref<10240xi32, #tpu.memory_space<vmem>>, vector<16xi32>,
      %slice3A = vector.extract_strided_slice %get3A_182 {offsets = [0], sizes = [1], strides = [1]} : vector<16xi32> to vector<1xi32>
      %squeeze3A = vector.extract %slice3A[0] : i32 from vector<1xi32>
      %ge3A = arith.cmpi sge, %squeeze3A, %add3A_53 : i32
      %add3A_183 = arith.constant 1 : i32
      %add3A_184 = arith.addi %select_n3A_181, %add3A_183 : i32
      %select_n3A_185 = arith.select %ge3A, %scan3A_155, %add3A_184 : i32
      %select_n3A_186 = arith.select %ge3A, %select_n3A_181, %scan3A_156 : i32
      %ge3A_187 = arith.cmpi sge, %scan3A_155, %scan3A_156 : i32
      %select_n3A_188 = arith.select %ge3A_187, %scan3A_155, %select_n3A_185 : i32
      %select_n3A_189 = arith.select %ge3A_187, %scan3A_156, %select_n3A_186 : i32
      scf.yield %select_n3A_188, %select_n3A_189 : i32, i32
    }
    %scan3A_61 = arith.constant 14 : i32
    %dma_wait3A_62 = arith.constant 0 : i32
    %dma_wait3A_63 = tpu.memref_slice %arg13[%arg1, %dma_wait3A_62] : memref<16x10240xi32, #tpu.memory_space<vmem_shared>> -> memref<1x10240xi32, #tpu.memory_space<vmem_shared>>
    %dma_wait3A_64 = tpu.memref_squeeze %dma_wait3A_63 : memref<1x10240xi32, #tpu.memory_space<vmem_shared>> -> memref<10240xi32, #tpu.memory_space<vmem_shared>>
    %dma_wait3A_65 = arith.constant 0 : i32
    %dma_wait3A_66 = tpu.memref_slice %arg13[%arg1, %dma_wait3A_65] : memref<16x10240xi32, #tpu.memory_space<vmem_shared>> -> memref<1x10240xi32, #tpu.memory_space<vmem_shared>>
    %dma_wait3A_67 = tpu.memref_squeeze %dma_wait3A_66 : memref<1x10240xi32, #tpu.memory_space<vmem_shared>> -> memref<10240xi32, #tpu.memory_space<vmem_shared>>
    tpu.wait_dma2 semaphore(%arg14 : memref<!tpu.dma_semaphore, #tpu.memory_space<semaphore_mem>>) src(%arg6 : memref<10240xi32, #tpu.memory_space<vmem>>) dst(%dma_wait3A_67 : memref<10240xi32, #tpu.memory_space<vmem_shared>>)
    %barrier3A = arith.constant 0 : index
    tpu.barrier barrier_id(%barrier3A)
    %jit3A = arith.constant 640 : i32
    %div3A = arith.divsi %scan3A_50#0, %jit3A : i32
    %sign3A = arith.constant 0 : i32
    %sign3A_68 = arith.cmpi sgt, %scan3A_50#0, %sign3A : i32
    %sign3A_69 = arith.extui %sign3A_68 : i1 to i32
    %sign3A_70 = arith.constant 0 : i32
    %sign3A_71 = arith.cmpi slt, %scan3A_50#0, %sign3A_70 : i32
    %sign3A_72 = arith.extui %sign3A_71 : i1 to i32
    %sign3A_73 = arith.subi %sign3A_69, %sign3A_72 : i32
    %sign3A_74 = arith.constant 0 : i32
    %sign3A_75 = arith.cmpi sgt, %jit3A, %sign3A_74 : i32
    %sign3A_76 = arith.extui %sign3A_75 : i1 to i32
    %sign3A_77 = arith.constant 0 : i32
    %sign3A_78 = arith.cmpi slt, %jit3A, %sign3A_77 : i32
    %sign3A_79 = arith.extui %sign3A_78 : i1 to i32
    %sign3A_80 = arith.subi %sign3A_76, %sign3A_79 : i32
    %ne3A = arith.cmpi ne, %sign3A_73, %sign3A_80 : i32
    %rem3A = arith.remsi %scan3A_50#0, %jit3A : i32
    %ne3A_81 = arith.constant 0 : i32
    %ne3A_82 = arith.cmpi ne, %rem3A, %ne3A_81 : i32
    %and3A = arith.andi %ne3A, %ne3A_82 : i1
    %sub3A = arith.constant 1 : i32
    %sub3A_83 = arith.subi %div3A, %sub3A : i32
    %select_n3A = arith.select %and3A, %sub3A_83, %div3A : i32
    %add3A_84 = arith.constant 639 : i32
    %add3A_85 = arith.addi %scan3A_60#0, %add3A_84 : i32
    %jit3A_86 = arith.constant 640 : i32
    %div3A_87 = arith.divsi %add3A_85, %jit3A_86 : i32
    %sign3A_88 = arith.constant 0 : i32
    %sign3A_89 = arith.cmpi sgt, %add3A_85, %sign3A_88 : i32
    %sign3A_90 = arith.extui %sign3A_89 : i1 to i32
    %sign3A_91 = arith.constant 0 : i32
    %sign3A_92 = arith.cmpi slt, %add3A_85, %sign3A_91 : i32
    %sign3A_93 = arith.extui %sign3A_92 : i1 to i32
    %sign3A_94 = arith.subi %sign3A_90, %sign3A_93 : i32
    %sign3A_95 = arith.constant 0 : i32
    %sign3A_96 = arith.cmpi sgt, %jit3A_86, %sign3A_95 : i32
    %sign3A_97 = arith.extui %sign3A_96 : i1 to i32
    %sign3A_98 = arith.constant 0 : i32
    %sign3A_99 = arith.cmpi slt, %jit3A_86, %sign3A_98 : i32
    %sign3A_100 = arith.extui %sign3A_99 : i1 to i32
    %sign3A_101 = arith.subi %sign3A_97, %sign3A_100 : i32
    %ne3A_102 = arith.cmpi ne, %sign3A_94, %sign3A_101 : i32
    %rem3A_103 = arith.remsi %add3A_85, %jit3A_86 : i32
    %ne3A_104 = arith.constant 0 : i32
    %ne3A_105 = arith.cmpi ne, %rem3A_103, %ne3A_104 : i32
    %and3A_106 = arith.andi %ne3A_102, %ne3A_105 : i1
    %sub3A_107 = arith.constant 1 : i32
    %sub3A_108 = arith.subi %div3A_87, %sub3A_107 : i32
    %select_n3A_109 = arith.select %and3A_106, %sub3A_108, %div3A_87 : i32
    %while3A = arith.constant 0 : i32
    %while3A_110 = arith.subi %select_n3A_109, %select_n3A : i32
    %while3A_111 = arith.addi %select_n3A, %while3A_110 : i32
    %while3A_112 = arith.constant 1 : i32
    %while3A_113 = arith.divsi %while3A_110, %while3A_112 : i32
    %while3A_114 = arith.muli %while3A_113, %while3A_112 : i32
    %while3A_115 = arith.addi %select_n3A, %while3A_114 : i32
    %while3A_116 = arith.constant 1 : i32
    %while3A_117 = scf.for %while3A_154 = %select_n3A to %while3A_115 step %while3A_116 iter_args(%while3A_155 = %while3A) -> (i32)  : i32 {
      %mul3A_156 = arith.constant 640 : i32
      %mul3A_157 = arith.muli %while3A_154, %mul3A_156 : i32
      %multiple_of3A = tpu.assume_multiple %mul3A_157, 640 : i32
      "tpu.region"() ({
        %run_scoped3A = tpu.sem_alloc : memref<!tpu.dma_semaphore, #tpu.memory_space<semaphore_mem>>
        %dma_start3A_166 = arith.constant 0 : i32
        %dma_start3A_167 = tpu.memref_slice %arg13[%dma_start3A_166, %multiple_of3A] : memref<16x10240xi32, #tpu.memory_space<vmem_shared>> -> memref<16x640xi32, #tpu.memory_space<vmem_shared>>
        %dma_start3A_168 = arith.constant 0 : i32
        %dma_start3A_169 = tpu.memref_slice %arg13[%dma_start3A_168, %multiple_of3A] : memref<16x10240xi32, #tpu.memory_space<vmem_shared>> -> memref<16x640xi32, #tpu.memory_space<vmem_shared>>
        tpu.enqueue_dma source(%dma_start3A_169 : memref<16x640xi32, #tpu.memory_space<vmem_shared>>) target(%arg12 : memref<16x640xi32, #tpu.memory_space<vmem>>) target_semaphore(%run_scoped3A : memref<!tpu.dma_semaphore, #tpu.memory_space<semaphore_mem>>)
        %dma_wait3A_170 = arith.constant 0 : i32
        %dma_wait3A_171 = tpu.memref_slice %arg13[%dma_wait3A_170, %multiple_of3A] : memref<16x10240xi32, #tpu.memory_space<vmem_shared>> -> memref<16x640xi32, #tpu.memory_space<vmem_shared>>
        %dma_wait3A_172 = arith.constant 0 : i32
        %dma_wait3A_173 = tpu.memref_slice %arg13[%dma_wait3A_172, %multiple_of3A] : memref<16x10240xi32, #tpu.memory_space<vmem_shared>> -> memref<16x640xi32, #tpu.memory_space<vmem_shared>>
        tpu.wait_dma2 semaphore(%run_scoped3A : memref<!tpu.dma_semaphore, #tpu.memory_space<semaphore_mem>>) src(%dma_wait3A_173 : memref<16x640xi32, #tpu.memory_space<vmem_shared>>) dst(%arg12 : memref<16x640xi32, #tpu.memory_space<vmem>>)
        tpu.yield
      }) : () -> ()
      %scan3A_158 = arith.constant 0 : i32
      %scan3A_159 = arith.constant 0 : i32
      %scan3A_160 = arith.constant 40 : i32
      %scan3A_161 = arith.addi %scan3A_159, %scan3A_160 : i32
      %scan3A_162 = arith.constant 1 : i32
      %scan3A_163 = scf.for %scan3A_166 = %scan3A_159 to %scan3A_161 step %scan3A_162 iter_args(%scan3A_167 = %scan3A_158) -> (i32)  : i32 {
        %mul3A_168 = arith.constant 16 : i32
        %mul3A_169 = arith.muli %scan3A_166, %mul3A_168 : i32
        %multiple_of3A_170 = tpu.assume_multiple %mul3A_169, 16 : i32
        %get3A = arith.constant 0 : i32
        %get3A_171 = arith.index_cast %get3A : i32 to index
        %get3A_172 = arith.index_cast %multiple_of3A_170 : i32 to index
        %get3A_173 = tpu.vector_load %arg12[%get3A_171, %get3A_172] {strides = array<i32>} : memref<16x640xi32, #tpu.memory_space<vmem>>, vector<16xi32>,
        %get3A_174 = arith.constant 1 : i32
        %get3A_175 = arith.index_cast %get3A_174 : i32 to index
        %get3A_176 = arith.index_cast %multiple_of3A_170 : i32 to index
        %get3A_177 = tpu.vector_load %arg12[%get3A_175, %get3A_176] {strides = array<i32>} : memref<16x640xi32, #tpu.memory_space<vmem>>, vector<16xi32>,
        %add3A_178 = arith.addi %get3A_173, %get3A_177 : vector<16xi32>
        %get3A_179 = arith.constant 2 : i32
        %get3A_180 = arith.index_cast %get3A_179 : i32 to index
        %get3A_181 = arith.index_cast %multiple_of3A_170 : i32 to index
        %get3A_182 = tpu.vector_load %arg12[%get3A_180, %get3A_181] {strides = array<i32>} : memref<16x640xi32, #tpu.memory_space<vmem>>, vector<16xi32>,
        %add3A_183 = arith.addi %add3A_178, %get3A_182 : vector<16xi32>
        %get3A_184 = arith.constant 3 : i32
        %get3A_185 = arith.index_cast %get3A_184 : i32 to index
        %get3A_186 = arith.index_cast %multiple_of3A_170 : i32 to index
        %get3A_187 = tpu.vector_load %arg12[%get3A_185, %get3A_186] {strides = array<i32>} : memref<16x640xi32, #tpu.memory_space<vmem>>, vector<16xi32>,
        %add3A_188 = arith.addi %add3A_183, %get3A_187 : vector<16xi32>
        %get3A_189 = arith.constant 4 : i32
        %get3A_190 = arith.index_cast %get3A_189 : i32 to index
        %get3A_191 = arith.index_cast %multiple_of3A_170 : i32 to index
        %get3A_192 = tpu.vector_load %arg12[%get3A_190, %get3A_191] {strides = array<i32>} : memref<16x640xi32, #tpu.memory_space<vmem>>, vector<16xi32>,
        %add3A_193 = arith.addi %add3A_188, %get3A_192 : vector<16xi32>
        %get3A_194 = arith.constant 5 : i32
        %get3A_195 = arith.index_cast %get3A_194 : i32 to index
        %get3A_196 = arith.index_cast %multiple_of3A_170 : i32 to index
        %get3A_197 = tpu.vector_load %arg12[%get3A_195, %get3A_196] {strides = array<i32>} : memref<16x640xi32, #tpu.memory_space<vmem>>, vector<16xi32>,
        %add3A_198 = arith.addi %add3A_193, %get3A_197 : vector<16xi32>
        %get3A_199 = arith.constant 6 : i32
        %get3A_200 = arith.index_cast %get3A_199 : i32 to index
        %get3A_201 = arith.index_cast %multiple_of3A_170 : i32 to index
        %get3A_202 = tpu.vector_load %arg12[%get3A_200, %get3A_201] {strides = array<i32>} : memref<16x640xi32, #tpu.memory_space<vmem>>, vector<16xi32>,
        %add3A_203 = arith.addi %add3A_198, %get3A_202 : vector<16xi32>
        %get3A_204 = arith.constant 7 : i32
        %get3A_205 = arith.index_cast %get3A_204 : i32 to index
        %get3A_206 = arith.index_cast %multiple_of3A_170 : i32 to index
        %get3A_207 = tpu.vector_load %arg12[%get3A_205, %get3A_206] {strides = array<i32>} : memref<16x640xi32, #tpu.memory_space<vmem>>, vector<16xi32>,
        %add3A_208 = arith.addi %add3A_203, %get3A_207 : vector<16xi32>
        %get3A_209 = arith.constant 8 : i32
        %get3A_210 = arith.index_cast %get3A_209 : i32 to index
        %get3A_211 = arith.index_cast %multiple_of3A_170 : i32 to index
        %get3A_212 = tpu.vector_load %arg12[%get3A_210, %get3A_211] {strides = array<i32>} : memref<16x640xi32, #tpu.memory_space<vmem>>, vector<16xi32>,
        %add3A_213 = arith.addi %add3A_208, %get3A_212 : vector<16xi32>
        %get3A_214 = arith.constant 9 : i32
        %get3A_215 = arith.index_cast %get3A_214 : i32 to index
        %get3A_216 = arith.index_cast %multiple_of3A_170 : i32 to index
        %get3A_217 = tpu.vector_load %arg12[%get3A_215, %get3A_216] {strides = array<i32>} : memref<16x640xi32, #tpu.memory_space<vmem>>, vector<16xi32>,
        %add3A_218 = arith.addi %add3A_213, %get3A_217 : vector<16xi32>
        %get3A_219 = arith.constant 10 : i32
        %get3A_220 = arith.index_cast %get3A_219 : i32 to index
        %get3A_221 = arith.index_cast %multiple_of3A_170 : i32 to index
        %get3A_222 = tpu.vector_load %arg12[%get3A_220, %get3A_221] {strides = array<i32>} : memref<16x640xi32, #tpu.memory_space<vmem>>, vector<16xi32>,
        %add3A_223 = arith.addi %add3A_218, %get3A_222 : vector<16xi32>
        %get3A_224 = arith.constant 11 : i32
        %get3A_225 = arith.index_cast %get3A_224 : i32 to index
        %get3A_226 = arith.index_cast %multiple_of3A_170 : i32 to index
        %get3A_227 = tpu.vector_load %arg12[%get3A_225, %get3A_226] {strides = array<i32>} : memref<16x640xi32, #tpu.memory_space<vmem>>, vector<16xi32>,
        %add3A_228 = arith.addi %add3A_223, %get3A_227 : vector<16xi32>
        %get3A_229 = arith.constant 12 : i32
        %get3A_230 = arith.index_cast %get3A_229 : i32 to index
        %get3A_231 = arith.index_cast %multiple_of3A_170 : i32 to index
        %get3A_232 = tpu.vector_load %arg12[%get3A_230, %get3A_231] {strides = array<i32>} : memref<16x640xi32, #tpu.memory_space<vmem>>, vector<16xi32>,
        %add3A_233 = arith.addi %add3A_228, %get3A_232 : vector<16xi32>
        %get3A_234 = arith.constant 13 : i32
        %get3A_235 = arith.index_cast %get3A_234 : i32 to index
        %get3A_236 = arith.index_cast %multiple_of3A_170 : i32 to index
        %get3A_237 = tpu.vector_load %arg12[%get3A_235, %get3A_236] {strides = array<i32>} : memref<16x640xi32, #tpu.memory_space<vmem>>, vector<16xi32>,
        %add3A_238 = arith.addi %add3A_233, %get3A_237 : vector<16xi32>
        %get3A_239 = arith.constant 14 : i32
        %get3A_240 = arith.index_cast %get3A_239 : i32 to index
        %get3A_241 = arith.index_cast %multiple_of3A_170 : i32 to index
        %get3A_242 = tpu.vector_load %arg12[%get3A_240, %get3A_241] {strides = array<i32>} : memref<16x640xi32, #tpu.memory_space<vmem>>, vector<16xi32>,
        %add3A_243 = arith.addi %add3A_238, %get3A_242 : vector<16xi32>
        %get3A_244 = arith.constant 15 : i32
        %get3A_245 = arith.index_cast %get3A_244 : i32 to index
        %get3A_246 = arith.index_cast %multiple_of3A_170 : i32 to index
        %get3A_247 = tpu.vector_load %arg12[%get3A_245, %get3A_246] {strides = array<i32>} : memref<16x640xi32, #tpu.memory_space<vmem>>, vector<16xi32>,
        %add3A_248 = arith.addi %add3A_243, %get3A_247 : vector<16xi32>
        %add3A_249 = arith.addi %multiple_of3A, %multiple_of3A_170 : i32
        %swap3A = arith.index_cast %add3A_249 : i32 to index
        %swap3A_250 = tpu.vector_load %arg9[%swap3A] {strides = array<i32>} : memref<10240xi32, #tpu.memory_space<vmem>>, vector<16xi32>,
        tpu.vector_store %arg9[%swap3A], %add3A_248 {strides = array<i32>} : memref<10240xi32, #tpu.memory_space<vmem>>, vector<16xi32>,
        %scan3A_251 = arith.constant 0 : i32
        scf.yield %scan3A_251 : i32
      }
      %scan3A_164 = arith.constant 40 : i32
      %while3A_165 = arith.constant 0 : i32
      scf.yield %while3A_165 : i32
    }
    %while3A_118 = arith.constant 1 : i32
    %while3A_119 = scf.for %while3A_154 = %while3A_115 to %while3A_111 step %while3A_118 iter_args(%while3A_155 = %while3A_117) -> (i32)  : i32 {
      %mul3A_156 = arith.constant 640 : i32
      %mul3A_157 = arith.muli %while3A_154, %mul3A_156 : i32
      %multiple_of3A = tpu.assume_multiple %mul3A_157, 640 : i32
      "tpu.region"() ({
        %run_scoped3A = tpu.sem_alloc : memref<!tpu.dma_semaphore, #tpu.memory_space<semaphore_mem>>
        %dma_start3A_166 = arith.constant 0 : i32
        %dma_start3A_167 = tpu.memref_slice %arg13[%dma_start3A_166, %multiple_of3A] : memref<16x10240xi32, #tpu.memory_space<vmem_shared>> -> memref<16x640xi32, #tpu.memory_space<vmem_shared>>
        %dma_start3A_168 = arith.constant 0 : i32
        %dma_start3A_169 = tpu.memref_slice %arg13[%dma_start3A_168, %multiple_of3A] : memref<16x10240xi32, #tpu.memory_space<vmem_shared>> -> memref<16x640xi32, #tpu.memory_space<vmem_shared>>
        tpu.enqueue_dma source(%dma_start3A_169 : memref<16x640xi32, #tpu.memory_space<vmem_shared>>) target(%arg12 : memref<16x640xi32, #tpu.memory_space<vmem>>) target_semaphore(%run_scoped3A : memref<!tpu.dma_semaphore, #tpu.memory_space<semaphore_mem>>)
        %dma_wait3A_170 = arith.constant 0 : i32
        %dma_wait3A_171 = tpu.memref_slice %arg13[%dma_wait3A_170, %multiple_of3A] : memref<16x10240xi32, #tpu.memory_space<vmem_shared>> -> memref<16x640xi32, #tpu.memory_space<vmem_shared>>
        %dma_wait3A_172 = arith.constant 0 : i32
        %dma_wait3A_173 = tpu.memref_slice %arg13[%dma_wait3A_172, %multiple_of3A] : memref<16x10240xi32, #tpu.memory_space<vmem_shared>> -> memref<16x640xi32, #tpu.memory_space<vmem_shared>>
        tpu.wait_dma2 semaphore(%run_scoped3A : memref<!tpu.dma_semaphore, #tpu.memory_space<semaphore_mem>>) src(%dma_wait3A_173 : memref<16x640xi32, #tpu.memory_space<vmem_shared>>) dst(%arg12 : memref<16x640xi32, #tpu.memory_space<vmem>>)
        tpu.yield
      }) : () -> ()
      %scan3A_158 = arith.constant 0 : i32
      %scan3A_159 = arith.constant 0 : i32
      %scan3A_160 = arith.constant 40 : i32
      %scan3A_161 = arith.addi %scan3A_159, %scan3A_160 : i32
      %scan3A_162 = arith.constant 1 : i32
      %scan3A_163 = scf.for %scan3A_166 = %scan3A_159 to %scan3A_161 step %scan3A_162 iter_args(%scan3A_167 = %scan3A_158) -> (i32)  : i32 {
        %mul3A_168 = arith.constant 16 : i32
        %mul3A_169 = arith.muli %scan3A_166, %mul3A_168 : i32
        %multiple_of3A_170 = tpu.assume_multiple %mul3A_169, 16 : i32
        %get3A = arith.constant 0 : i32
        %get3A_171 = arith.index_cast %get3A : i32 to index
        %get3A_172 = arith.index_cast %multiple_of3A_170 : i32 to index
        %get3A_173 = tpu.vector_load %arg12[%get3A_171, %get3A_172] {strides = array<i32>} : memref<16x640xi32, #tpu.memory_space<vmem>>, vector<16xi32>,
        %get3A_174 = arith.constant 1 : i32
        %get3A_175 = arith.index_cast %get3A_174 : i32 to index
        %get3A_176 = arith.index_cast %multiple_of3A_170 : i32 to index
        %get3A_177 = tpu.vector_load %arg12[%get3A_175, %get3A_176] {strides = array<i32>} : memref<16x640xi32, #tpu.memory_space<vmem>>, vector<16xi32>,
        %add3A_178 = arith.addi %get3A_173, %get3A_177 : vector<16xi32>
        %get3A_179 = arith.constant 2 : i32
        %get3A_180 = arith.index_cast %get3A_179 : i32 to index
        %get3A_181 = arith.index_cast %multiple_of3A_170 : i32 to index
        %get3A_182 = tpu.vector_load %arg12[%get3A_180, %get3A_181] {strides = array<i32>} : memref<16x640xi32, #tpu.memory_space<vmem>>, vector<16xi32>,
        %add3A_183 = arith.addi %add3A_178, %get3A_182 : vector<16xi32>
        %get3A_184 = arith.constant 3 : i32
        %get3A_185 = arith.index_cast %get3A_184 : i32 to index
        %get3A_186 = arith.index_cast %multiple_of3A_170 : i32 to index
        %get3A_187 = tpu.vector_load %arg12[%get3A_185, %get3A_186] {strides = array<i32>} : memref<16x640xi32, #tpu.memory_space<vmem>>, vector<16xi32>,
        %add3A_188 = arith.addi %add3A_183, %get3A_187 : vector<16xi32>
        %get3A_189 = arith.constant 4 : i32
        %get3A_190 = arith.index_cast %get3A_189 : i32 to index
        %get3A_191 = arith.index_cast %multiple_of3A_170 : i32 to index
        %get3A_192 = tpu.vector_load %arg12[%get3A_190, %get3A_191] {strides = array<i32>} : memref<16x640xi32, #tpu.memory_space<vmem>>, vector<16xi32>,
        %add3A_193 = arith.addi %add3A_188, %get3A_192 : vector<16xi32>
        %get3A_194 = arith.constant 5 : i32
        %get3A_195 = arith.index_cast %get3A_194 : i32 to index
        %get3A_196 = arith.index_cast %multiple_of3A_170 : i32 to index
        %get3A_197 = tpu.vector_load %arg12[%get3A_195, %get3A_196] {strides = array<i32>} : memref<16x640xi32, #tpu.memory_space<vmem>>, vector<16xi32>,
        %add3A_198 = arith.addi %add3A_193, %get3A_197 : vector<16xi32>
        %get3A_199 = arith.constant 6 : i32
        %get3A_200 = arith.index_cast %get3A_199 : i32 to index
        %get3A_201 = arith.index_cast %multiple_of3A_170 : i32 to index
        %get3A_202 = tpu.vector_load %arg12[%get3A_200, %get3A_201] {strides = array<i32>} : memref<16x640xi32, #tpu.memory_space<vmem>>, vector<16xi32>,
        %add3A_203 = arith.addi %add3A_198, %get3A_202 : vector<16xi32>
        %get3A_204 = arith.constant 7 : i32
        %get3A_205 = arith.index_cast %get3A_204 : i32 to index
        %get3A_206 = arith.index_cast %multiple_of3A_170 : i32 to index
        %get3A_207 = tpu.vector_load %arg12[%get3A_205, %get3A_206] {strides = array<i32>} : memref<16x640xi32, #tpu.memory_space<vmem>>, vector<16xi32>,
        %add3A_208 = arith.addi %add3A_203, %get3A_207 : vector<16xi32>
        %get3A_209 = arith.constant 8 : i32
        %get3A_210 = arith.index_cast %get3A_209 : i32 to index
        %get3A_211 = arith.index_cast %multiple_of3A_170 : i32 to index
        %get3A_212 = tpu.vector_load %arg12[%get3A_210, %get3A_211] {strides = array<i32>} : memref<16x640xi32, #tpu.memory_space<vmem>>, vector<16xi32>,
        %add3A_213 = arith.addi %add3A_208, %get3A_212 : vector<16xi32>
        %get3A_214 = arith.constant 9 : i32
        %get3A_215 = arith.index_cast %get3A_214 : i32 to index
        %get3A_216 = arith.index_cast %multiple_of3A_170 : i32 to index
        %get3A_217 = tpu.vector_load %arg12[%get3A_215, %get3A_216] {strides = array<i32>} : memref<16x640xi32, #tpu.memory_space<vmem>>, vector<16xi32>,
        %add3A_218 = arith.addi %add3A_213, %get3A_217 : vector<16xi32>
        %get3A_219 = arith.constant 10 : i32
        %get3A_220 = arith.index_cast %get3A_219 : i32 to index
        %get3A_221 = arith.index_cast %multiple_of3A_170 : i32 to index
        %get3A_222 = tpu.vector_load %arg12[%get3A_220, %get3A_221] {strides = array<i32>} : memref<16x640xi32, #tpu.memory_space<vmem>>, vector<16xi32>,
        %add3A_223 = arith.addi %add3A_218, %get3A_222 : vector<16xi32>
        %get3A_224 = arith.constant 11 : i32
        %get3A_225 = arith.index_cast %get3A_224 : i32 to index
        %get3A_226 = arith.index_cast %multiple_of3A_170 : i32 to index
        %get3A_227 = tpu.vector_load %arg12[%get3A_225, %get3A_226] {strides = array<i32>} : memref<16x640xi32, #tpu.memory_space<vmem>>, vector<16xi32>,
        %add3A_228 = arith.addi %add3A_223, %get3A_227 : vector<16xi32>
        %get3A_229 = arith.constant 12 : i32
        %get3A_230 = arith.index_cast %get3A_229 : i32 to index
        %get3A_231 = arith.index_cast %multiple_of3A_170 : i32 to index
        %get3A_232 = tpu.vector_load %arg12[%get3A_230, %get3A_231] {strides = array<i32>} : memref<16x640xi32, #tpu.memory_space<vmem>>, vector<16xi32>,
        %add3A_233 = arith.addi %add3A_228, %get3A_232 : vector<16xi32>
        %get3A_234 = arith.constant 13 : i32
        %get3A_235 = arith.index_cast %get3A_234 : i32 to index
        %get3A_236 = arith.index_cast %multiple_of3A_170 : i32 to index
        %get3A_237 = tpu.vector_load %arg12[%get3A_235, %get3A_236] {strides = array<i32>} : memref<16x640xi32, #tpu.memory_space<vmem>>, vector<16xi32>,
        %add3A_238 = arith.addi %add3A_233, %get3A_237 : vector<16xi32>
        %get3A_239 = arith.constant 14 : i32
        %get3A_240 = arith.index_cast %get3A_239 : i32 to index
        %get3A_241 = arith.index_cast %multiple_of3A_170 : i32 to index
        %get3A_242 = tpu.vector_load %arg12[%get3A_240, %get3A_241] {strides = array<i32>} : memref<16x640xi32, #tpu.memory_space<vmem>>, vector<16xi32>,
        %add3A_243 = arith.addi %add3A_238, %get3A_242 : vector<16xi32>
        %get3A_244 = arith.constant 15 : i32
        %get3A_245 = arith.index_cast %get3A_244 : i32 to index
        %get3A_246 = arith.index_cast %multiple_of3A_170 : i32 to index
        %get3A_247 = tpu.vector_load %arg12[%get3A_245, %get3A_246] {strides = array<i32>} : memref<16x640xi32, #tpu.memory_space<vmem>>, vector<16xi32>,
        %add3A_248 = arith.addi %add3A_243, %get3A_247 : vector<16xi32>
        %add3A_249 = arith.addi %multiple_of3A, %multiple_of3A_170 : i32
        %swap3A = arith.index_cast %add3A_249 : i32 to index
        %swap3A_250 = tpu.vector_load %arg9[%swap3A] {strides = array<i32>} : memref<10240xi32, #tpu.memory_space<vmem>>, vector<16xi32>,
        tpu.vector_store %arg9[%swap3A], %add3A_248 {strides = array<i32>} : memref<10240xi32, #tpu.memory_space<vmem>>, vector<16xi32>,
        %scan3A_251 = arith.constant 0 : i32
        scf.yield %scan3A_251 : i32
      }
      %scan3A_164 = arith.constant 40 : i32
      %while3A_165 = arith.constant 0 : i32
      scf.yield %while3A_165 : i32
    }
    %broadcast_in_dim3A_120 = arith.constant 0xFF800000 : f32
    %broadcast_in_dim3A_121 = vector.broadcast %broadcast_in_dim3A_120 : f32 to vector<16xf32>
    %scan3A_122 = arith.constant 0 : i32
    %scan3A_123 = arith.constant 0 : i32
    %scan3A_124 = arith.constant 32 : i32
    %scan3A_125 = arith.addi %scan3A_123, %scan3A_124 : i32
    %scan3A_126 = arith.constant 1 : i32
    %scan3A_127 = scf.for %scan3A_154 = %scan3A_123 to %scan3A_125 step %scan3A_126 iter_args(%scan3A_155 = %scan3A_122) -> (i32)  : i32 {
      %swap3A = arith.index_cast %scan3A_154 : i32 to index
      %swap3A_156 = arith.constant 0 : index
      %swap3A_157 = tpu.vector_load %arg10[%swap3A, %swap3A_156] {strides = array<i32>} : memref<32x256xf32, #tpu.memory_space<vmem>>, vector<16xf32>,
      tpu.vector_store %arg10[%swap3A, %swap3A_156], %broadcast_in_dim3A_121 {strides = array<i32>} : memref<32x256xf32, #tpu.memory_space<vmem>>, vector<16xf32>,
      %swap3A_158 = arith.index_cast %scan3A_154 : i32 to index
      %swap3A_159 = arith.constant 16 : index
      %swap3A_160 = tpu.vector_load %arg10[%swap3A_158, %swap3A_159] {strides = array<i32>} : memref<32x256xf32, #tpu.memory_space<vmem>>, vector<16xf32>,
      tpu.vector_store %arg10[%swap3A_158, %swap3A_159], %broadcast_in_dim3A_121 {strides = array<i32>} : memref<32x256xf32, #tpu.memory_space<vmem>>, vector<16xf32>,
      %swap3A_161 = arith.index_cast %scan3A_154 : i32 to index
      %swap3A_162 = arith.constant 32 : index
      %swap3A_163 = tpu.vector_load %arg10[%swap3A_161, %swap3A_162] {strides = array<i32>} : memref<32x256xf32, #tpu.memory_space<vmem>>, vector<16xf32>,
      tpu.vector_store %arg10[%swap3A_161, %swap3A_162], %broadcast_in_dim3A_121 {strides = array<i32>} : memref<32x256xf32, #tpu.memory_space<vmem>>, vector<16xf32>,
      %swap3A_164 = arith.index_cast %scan3A_154 : i32 to index
      %swap3A_165 = arith.constant 48 : index
      %swap3A_166 = tpu.vector_load %arg10[%swap3A_164, %swap3A_165] {strides = array<i32>} : memref<32x256xf32, #tpu.memory_space<vmem>>, vector<16xf32>,
      tpu.vector_store %arg10[%swap3A_164, %swap3A_165], %broadcast_in_dim3A_121 {strides = array<i32>} : memref<32x256xf32, #tpu.memory_space<vmem>>, vector<16xf32>,
      %swap3A_167 = arith.index_cast %scan3A_154 : i32 to index
      %swap3A_168 = arith.constant 64 : index
      %swap3A_169 = tpu.vector_load %arg10[%swap3A_167, %swap3A_168] {strides = array<i32>} : memref<32x256xf32, #tpu.memory_space<vmem>>, vector<16xf32>,
      tpu.vector_store %arg10[%swap3A_167, %swap3A_168], %broadcast_in_dim3A_121 {strides = array<i32>} : memref<32x256xf32, #tpu.memory_space<vmem>>, vector<16xf32>,
      %swap3A_170 = arith.index_cast %scan3A_154 : i32 to index
      %swap3A_171 = arith.constant 80 : index
      %swap3A_172 = tpu.vector_load %arg10[%swap3A_170, %swap3A_171] {strides = array<i32>} : memref<32x256xf32, #tpu.memory_space<vmem>>, vector<16xf32>,
      tpu.vector_store %arg10[%swap3A_170, %swap3A_171], %broadcast_in_dim3A_121 {strides = array<i32>} : memref<32x256xf32, #tpu.memory_space<vmem>>, vector<16xf32>,
      %swap3A_173 = arith.index_cast %scan3A_154 : i32 to index
      %swap3A_174 = arith.constant 96 : index
      %swap3A_175 = tpu.vector_load %arg10[%swap3A_173, %swap3A_174] {strides = array<i32>} : memref<32x256xf32, #tpu.memory_space<vmem>>, vector<16xf32>,
      tpu.vector_store %arg10[%swap3A_173, %swap3A_174], %broadcast_in_dim3A_121 {strides = array<i32>} : memref<32x256xf32, #tpu.memory_space<vmem>>, vector<16xf32>,
      %swap3A_176 = arith.index_cast %scan3A_154 : i32 to index
      %swap3A_177 = arith.constant 112 : index
      %swap3A_178 = tpu.vector_load %arg10[%swap3A_176, %swap3A_177] {strides = array<i32>} : memref<32x256xf32, #tpu.memory_space<vmem>>, vector<16xf32>,
      tpu.vector_store %arg10[%swap3A_176, %swap3A_177], %broadcast_in_dim3A_121 {strides = array<i32>} : memref<32x256xf32, #tpu.memory_space<vmem>>, vector<16xf32>,
      %swap3A_179 = arith.index_cast %scan3A_154 : i32 to index
      %swap3A_180 = arith.constant 128 : index
      %swap3A_181 = tpu.vector_load %arg10[%swap3A_179, %swap3A_180] {strides = array<i32>} : memref<32x256xf32, #tpu.memory_space<vmem>>, vector<16xf32>,
      tpu.vector_store %arg10[%swap3A_179, %swap3A_180], %broadcast_in_dim3A_121 {strides = array<i32>} : memref<32x256xf32, #tpu.memory_space<vmem>>, vector<16xf32>,
      %swap3A_182 = arith.index_cast %scan3A_154 : i32 to index
      %swap3A_183 = arith.constant 144 : index
      %swap3A_184 = tpu.vector_load %arg10[%swap3A_182, %swap3A_183] {strides = array<i32>} : memref<32x256xf32, #tpu.memory_space<vmem>>, vector<16xf32>,
      tpu.vector_store %arg10[%swap3A_182, %swap3A_183], %broadcast_in_dim3A_121 {strides = array<i32>} : memref<32x256xf32, #tpu.memory_space<vmem>>, vector<16xf32>,
      %swap3A_185 = arith.index_cast %scan3A_154 : i32 to index
      %swap3A_186 = arith.constant 160 : index
      %swap3A_187 = tpu.vector_load %arg10[%swap3A_185, %swap3A_186] {strides = array<i32>} : memref<32x256xf32, #tpu.memory_space<vmem>>, vector<16xf32>,
      tpu.vector_store %arg10[%swap3A_185, %swap3A_186], %broadcast_in_dim3A_121 {strides = array<i32>} : memref<32x256xf32, #tpu.memory_space<vmem>>, vector<16xf32>,
      %swap3A_188 = arith.index_cast %scan3A_154 : i32 to index
      %swap3A_189 = arith.constant 176 : index
      %swap3A_190 = tpu.vector_load %arg10[%swap3A_188, %swap3A_189] {strides = array<i32>} : memref<32x256xf32, #tpu.memory_space<vmem>>, vector<16xf32>,
      tpu.vector_store %arg10[%swap3A_188, %swap3A_189], %broadcast_in_dim3A_121 {strides = array<i32>} : memref<32x256xf32, #tpu.memory_space<vmem>>, vector<16xf32>,
      %swap3A_191 = arith.index_cast %scan3A_154 : i32 to index
      %swap3A_192 = arith.constant 192 : index
      %swap3A_193 = tpu.vector_load %arg10[%swap3A_191, %swap3A_192] {strides = array<i32>} : memref<32x256xf32, #tpu.memory_space<vmem>>, vector<16xf32>,
      tpu.vector_store %arg10[%swap3A_191, %swap3A_192], %broadcast_in_dim3A_121 {strides = array<i32>} : memref<32x256xf32, #tpu.memory_space<vmem>>, vector<16xf32>,
      %swap3A_194 = arith.index_cast %scan3A_154 : i32 to index
      %swap3A_195 = arith.constant 208 : index
      %swap3A_196 = tpu.vector_load %arg10[%swap3A_194, %swap3A_195] {strides = array<i32>} : memref<32x256xf32, #tpu.memory_space<vmem>>, vector<16xf32>,
      tpu.vector_store %arg10[%swap3A_194, %swap3A_195], %broadcast_in_dim3A_121 {strides = array<i32>} : memref<32x256xf32, #tpu.memory_space<vmem>>, vector<16xf32>,
      %swap3A_197 = arith.index_cast %scan3A_154 : i32 to index
      %swap3A_198 = arith.constant 224 : index
      %swap3A_199 = tpu.vector_load %arg10[%swap3A_197, %swap3A_198] {strides = array<i32>} : memref<32x256xf32, #tpu.memory_space<vmem>>, vector<16xf32>,
      tpu.vector_store %arg10[%swap3A_197, %swap3A_198], %broadcast_in_dim3A_121 {strides = array<i32>} : memref<32x256xf32, #tpu.memory_space<vmem>>, vector<16xf32>,
      %swap3A_200 = arith.index_cast %scan3A_154 : i32 to index
      %swap3A_201 = arith.constant 240 : index
      %swap3A_202 = tpu.vector_load %arg10[%swap3A_200, %swap3A_201] {strides = array<i32>} : memref<32x256xf32, #tpu.memory_space<vmem>>, vector<16xf32>,
      tpu.vector_store %arg10[%swap3A_200, %swap3A_201], %broadcast_in_dim3A_121 {strides = array<i32>} : memref<32x256xf32, #tpu.memory_space<vmem>>, vector<16xf32>,
      %scan3A_203 = arith.constant 0 : i32
      scf.yield %scan3A_203 : i32
    }
    %scan3A_128 = arith.constant 32 : i32
    %iota3A = tpu.iota {dimensions = array<i32: 0>} : vector<16xi32>
    %shift_right_arithmetic3A = arith.constant 4 : i32
    %shift_right_arithmetic3A_129 = arith.shrsi %scan3A_50#0, %shift_right_arithmetic3A : i32
    %add3A_130 = arith.constant 15 : i32
    %add3A_131 = arith.addi %scan3A_60#0, %add3A_130 : i32
    %shift_right_arithmetic3A_132 = arith.constant 4 : i32
    %shift_right_arithmetic3A_133 = arith.shrsi %add3A_131, %shift_right_arithmetic3A_132 : i32
    %while3A_134 = arith.constant 0 : i32
    %while3A_135 = arith.subi %shift_right_arithmetic3A_133, %shift_right_arithmetic3A_129 : i32
    %while3A_136 = arith.addi %shift_right_arithmetic3A_129, %while3A_135 : i32
    %while3A_137 = arith.constant 1 : i32
    %while3A_138 = arith.divsi %while3A_135, %while3A_137 : i32
    %while3A_139 = arith.muli %while3A_138, %while3A_137 : i32
    %while3A_140 = arith.addi %shift_right_arithmetic3A_129, %while3A_139 : i32
    %while3A_141 = arith.constant 1 : i32
    %while3A_142 = scf.for %while3A_154 = %shift_right_arithmetic3A_129 to %while3A_140 step %while3A_141 iter_args(%while3A_155 = %while3A_134) -> (i32)  : i32 {
      %mul3A_156 = arith.constant 16 : i32
      %mul3A_157 = arith.muli %while3A_154, %mul3A_156 : i32
      %multiple_of3A = tpu.assume_multiple %mul3A_157, 16 : i32
      %get3A = arith.index_cast %multiple_of3A : i32 to index
      %get3A_158 = tpu.vector_load %arg9[%get3A] {strides = array<i32>} : memref<10240xi32, #tpu.memory_space<vmem>>, vector<16xi32>,
      %add3A_159 = vector.broadcast %mul3A_157 : i32 to vector<16xi32>
      %add3A_160 = arith.addi %iota3A, %add3A_159 : vector<16xi32>
      %eq3A = arith.constant 0 : i32
      %eq3A_161 = vector.broadcast %eq3A : i32 to vector<16xi32>
      %eq3A_162 = arith.cmpi eq, %get3A_158, %eq3A_161 : vector<16xi32>
      %ge3A = vector.broadcast %scan3A_50#0 : i32 to vector<16xi32>
      %ge3A_163 = arith.cmpi sge, %add3A_160, %ge3A : vector<16xi32>
      %and3A_164 = arith.andi %eq3A_162, %ge3A_163 : vector<16xi1>
      %lt3A = vector.broadcast %scan3A_60#0 : i32 to vector<16xi32>
      %lt3A_165 = arith.cmpi slt, %add3A_160, %lt3A : vector<16xi32>
      %and3A_166 = arith.andi %and3A_164, %lt3A_165 : vector<16xi1>
      %all_reduce_population_count3A = tpu.all_reduce %and3A_166 {dim = 0 : i64, kind = #tpu.reduction_kind<sum>} : vector<16xi1> -> vector<16xi32>
      %reduce_max3A = arith.constant true
      %reduce_max3A_167 = vector.broadcast %reduce_max3A : i1 to vector<16xi1>
      %reduce_max3A_168 = arith.constant -2147483648 : i32
      %reduce_max3A_169 = vector.broadcast %reduce_max3A_168 : i32 to vector<16xi32>
      %reduce_max3A_170 = arith.xori %all_reduce_population_count3A, %reduce_max3A_169 : vector<16xi32>
      %reduce_max3A_171 = tpu.scan <max>, %reduce_max3A_170 masked %reduce_max3A_167 : vector<16xi32>, vector<16xi1> -> vector<16xi32>
      %reduce_max3A_172 = arith.xori %reduce_max3A_171, %reduce_max3A_169 : vector<16xi32>
      %reduce_max3A_173 = vector.extract %reduce_max3A_172[15] : i32 from vector<16xi32>
      %gt3A = arith.constant 0 : i32
      %gt3A_174 = arith.cmpi sgt, %reduce_max3A_173, %gt3A : i32
      %convert_element_type3A = arith.extui %gt3A_174 : i1 to i32
      %cond3A = arith.constant 0 : i32
      %cond3A_175 = arith.cmpi ne, %convert_element_type3A, %cond3A : i32
      scf.if %cond3A_175 {
        %scan3A_177 = arith.constant 0 : i32
        %scan3A_178 = arith.constant 0 : i32
        %scan3A_179 = arith.constant 16 : i32
        %scan3A_180 = arith.addi %scan3A_178, %scan3A_179 : i32
        %scan3A_181 = arith.constant 1 : i32
        %scan3A_182 = scf.for %scan3A_184 = %scan3A_178 to %scan3A_180 step %scan3A_181 iter_args(%scan3A_185 = %scan3A_177) -> (i32)  : i32 {
          %add3A_186 = arith.addi %mul3A_157, %scan3A_184 : i32
          %get3A_187 = arith.index_cast %add3A_186 : i32 to index
          %get3A_188 = tpu.vector_load %arg9[%get3A_187] {strides = array<i32>} : memref<10240xi32, #tpu.memory_space<vmem>>, vector<16xi32>,
          %slice3A = vector.extract_strided_slice %get3A_188 {offsets = [0], sizes = [1], strides = [1]} : vector<16xi32> to vector<1xi32>
          %squeeze3A = vector.extract %slice3A[0] : i32 from vector<1xi32>
          %ge3A_189 = arith.cmpi sge, %add3A_186, %scan3A_50#0 : i32
          %lt3A_190 = arith.cmpi slt, %add3A_186, %scan3A_60#0 : i32
          %and3A_191 = arith.andi %ge3A_189, %lt3A_190 : i1
          %eq3A_192 = arith.constant 0 : i32
          %eq3A_193 = arith.cmpi eq, %squeeze3A, %eq3A_192 : i32
          %and3A_194 = arith.andi %and3A_191, %eq3A_193 : i1
          %convert_element_type3A_195 = arith.extui %and3A_194 : i1 to i32
          %cond3A_196 = arith.constant 0 : i32
          %cond3A_197 = arith.cmpi ne, %convert_element_type3A_195, %cond3A_196 : i32
          scf.if %cond3A_197 {
            %get3A_199 = arith.index_cast %add3A_186 : i32 to index
            %get3A_200 = tpu.vector_load %arg8[%get3A_199] {strides = array<i32>} : memref<10240xi32, #tpu.memory_space<vmem>>, vector<16xi32>,
            %slice3A_201 = vector.extract_strided_slice %get3A_200 {offsets = [0], sizes = [1], strides = [1]} : vector<16xi32> to vector<1xi32>
            %squeeze3A_202 = vector.extract %slice3A_201[0] : i32 from vector<1xi32>
            %sub3A_203 = arith.subi %squeeze3A_202, %mul3A_2 : i32
            "tpu.region"() ({
              %run_scoped3A = tpu.sem_alloc : memref<!tpu.dma_semaphore, #tpu.memory_space<semaphore_mem>>
              %dma_start3A_346 = arith.constant 0 : i32
              %dma_start3A_347 = tpu.memref_slice %arg4[%add3A_186, %dma_start3A_346] : memref<10000x256xf32, #tpu.memory_space<hbm>> -> memref<1x256xf32, #tpu.memory_space<hbm>>
              %dma_start3A_348 = tpu.memref_squeeze %dma_start3A_347 : memref<1x256xf32, #tpu.memory_space<hbm>> -> memref<256xf32, #tpu.memory_space<hbm>>
              %dma_start3A_349 = arith.constant 0 : i32
              %dma_start3A_350 = tpu.memref_slice %arg4[%add3A_186, %dma_start3A_349] : memref<10000x256xf32, #tpu.memory_space<hbm>> -> memref<1x256xf32, #tpu.memory_space<hbm>>
              %dma_start3A_351 = tpu.memref_squeeze %dma_start3A_350 : memref<1x256xf32, #tpu.memory_space<hbm>> -> memref<256xf32, #tpu.memory_space<hbm>>
              tpu.enqueue_dma source(%dma_start3A_351 : memref<256xf32, #tpu.memory_space<hbm>>) target(%arg11 : memref<256xf32, #tpu.memory_space<vmem>>) target_semaphore(%run_scoped3A : memref<!tpu.dma_semaphore, #tpu.memory_space<semaphore_mem>>)
              %dma_wait3A_352 = arith.constant 0 : i32
              %dma_wait3A_353 = tpu.memref_slice %arg4[%add3A_186, %dma_wait3A_352] : memref<10000x256xf32, #tpu.memory_space<hbm>> -> memref<1x256xf32, #tpu.memory_space<hbm>>
              %dma_wait3A_354 = tpu.memref_squeeze %dma_wait3A_353 : memref<1x256xf32, #tpu.memory_space<hbm>> -> memref<256xf32, #tpu.memory_space<hbm>>
              %dma_wait3A_355 = arith.constant 0 : i32
              %dma_wait3A_356 = tpu.memref_slice %arg4[%add3A_186, %dma_wait3A_355] : memref<10000x256xf32, #tpu.memory_space<hbm>> -> memref<1x256xf32, #tpu.memory_space<hbm>>
              %dma_wait3A_357 = tpu.memref_squeeze %dma_wait3A_356 : memref<1x256xf32, #tpu.memory_space<hbm>> -> memref<256xf32, #tpu.memory_space<hbm>>
              tpu.wait_dma2 semaphore(%run_scoped3A : memref<!tpu.dma_semaphore, #tpu.memory_space<semaphore_mem>>) src(%dma_wait3A_357 : memref<256xf32, #tpu.memory_space<hbm>>) dst(%arg11 : memref<256xf32, #tpu.memory_space<vmem>>)
              tpu.yield
            }) : () -> ()
            %get3A_204 = arith.index_cast %sub3A_203 : i32 to index
            %get3A_205 = arith.constant 0 : index
            %get3A_206 = tpu.vector_load %arg10[%get3A_204, %get3A_205] {strides = array<i32>} : memref<32x256xf32, #tpu.memory_space<vmem>>, vector<16xf32>,
            %get3A_207 = arith.constant 0 : index
            %get3A_208 = tpu.vector_load %arg11[%get3A_207] {strides = array<i32>} : memref<256xf32, #tpu.memory_space<vmem>>, vector<16xf32>,
            %max3A = arith.maximumf %get3A_206, %get3A_208 : vector<16xf32>
            %swap3A = arith.index_cast %sub3A_203 : i32 to index
            %swap3A_209 = arith.constant 0 : index
            %swap3A_210 = tpu.vector_load %arg10[%swap3A, %swap3A_209] {strides = array<i32>} : memref<32x256xf32, #tpu.memory_space<vmem>>, vector<16xf32>,
            tpu.vector_store %arg10[%swap3A, %swap3A_209], %max3A {strides = array<i32>} : memref<32x256xf32, #tpu.memory_space<vmem>>, vector<16xf32>,
            %get3A_211 = arith.index_cast %sub3A_203 : i32 to index
            %get3A_212 = arith.constant 16 : index
            %get3A_213 = tpu.vector_load %arg10[%get3A_211, %get3A_212] {strides = array<i32>} : memref<32x256xf32, #tpu.memory_space<vmem>>, vector<16xf32>,
            %get3A_214 = arith.constant 16 : index
            %get3A_215 = tpu.vector_load %arg11[%get3A_214] {strides = array<i32>} : memref<256xf32, #tpu.memory_space<vmem>>, vector<16xf32>,
            %max3A_216 = arith.maximumf %get3A_213, %get3A_215 : vector<16xf32>
            %swap3A_217 = arith.index_cast %sub3A_203 : i32 to index
            %swap3A_218 = arith.constant 16 : index
            %swap3A_219 = tpu.vector_load %arg10[%swap3A_217, %swap3A_218] {strides = array<i32>} : memref<32x256xf32, #tpu.memory_space<vmem>>, vector<16xf32>,
            tpu.vector_store %arg10[%swap3A_217, %swap3A_218], %max3A_216 {strides = array<i32>} : memref<32x256xf32, #tpu.memory_space<vmem>>, vector<16xf32>,
            %get3A_220 = arith.index_cast %sub3A_203 : i32 to index
            %get3A_221 = arith.constant 32 : index
            %get3A_222 = tpu.vector_load %arg10[%get3A_220, %get3A_221] {strides = array<i32>} : memref<32x256xf32, #tpu.memory_space<vmem>>, vector<16xf32>,
            %get3A_223 = arith.constant 32 : index
            %get3A_224 = tpu.vector_load %arg11[%get3A_223] {strides = array<i32>} : memref<256xf32, #tpu.memory_space<vmem>>, vector<16xf32>,
            %max3A_225 = arith.maximumf %get3A_222, %get3A_224 : vector<16xf32>
            %swap3A_226 = arith.index_cast %sub3A_203 : i32 to index
            %swap3A_227 = arith.constant 32 : index
            %swap3A_228 = tpu.vector_load %arg10[%swap3A_226, %swap3A_227] {strides = array<i32>} : memref<32x256xf32, #tpu.memory_space<vmem>>, vector<16xf32>,
            tpu.vector_store %arg10[%swap3A_226, %swap3A_227], %max3A_225 {strides = array<i32>} : memref<32x256xf32, #tpu.memory_space<vmem>>, vector<16xf32>,
            %get3A_229 = arith.index_cast %sub3A_203 : i32 to index
            %get3A_230 = arith.constant 48 : index
            %get3A_231 = tpu.vector_load %arg10[%get3A_229, %get3A_230] {strides = array<i32>} : memref<32x256xf32, #tpu.memory_space<vmem>>, vector<16xf32>,
            %get3A_232 = arith.constant 48 : index
            %get3A_233 = tpu.vector_load %arg11[%get3A_232] {strides = array<i32>} : memref<256xf32, #tpu.memory_space<vmem>>, vector<16xf32>,
            %max3A_234 = arith.maximumf %get3A_231, %get3A_233 : vector<16xf32>
            %swap3A_235 = arith.index_cast %sub3A_203 : i32 to index
            %swap3A_236 = arith.constant 48 : index
            %swap3A_237 = tpu.vector_load %arg10[%swap3A_235, %swap3A_236] {strides = array<i32>} : memref<32x256xf32, #tpu.memory_space<vmem>>, vector<16xf32>,
            tpu.vector_store %arg10[%swap3A_235, %swap3A_236], %max3A_234 {strides = array<i32>} : memref<32x256xf32, #tpu.memory_space<vmem>>, vector<16xf32>,
            %get3A_238 = arith.index_cast %sub3A_203 : i32 to index
            %get3A_239 = arith.constant 64 : index
            %get3A_240 = tpu.vector_load %arg10[%get3A_238, %get3A_239] {strides = array<i32>} : memref<32x256xf32, #tpu.memory_space<vmem>>, vector<16xf32>,
            %get3A_241 = arith.constant 64 : index
            %get3A_242 = tpu.vector_load %arg11[%get3A_241] {strides = array<i32>} : memref<256xf32, #tpu.memory_space<vmem>>, vector<16xf32>,
            %max3A_243 = arith.maximumf %get3A_240, %get3A_242 : vector<16xf32>
            %swap3A_244 = arith.index_cast %sub3A_203 : i32 to index
            %swap3A_245 = arith.constant 64 : index
            %swap3A_246 = tpu.vector_load %arg10[%swap3A_244, %swap3A_245] {strides = array<i32>} : memref<32x256xf32, #tpu.memory_space<vmem>>, vector<16xf32>,
            tpu.vector_store %arg10[%swap3A_244, %swap3A_245], %max3A_243 {strides = array<i32>} : memref<32x256xf32, #tpu.memory_space<vmem>>, vector<16xf32>,
            %get3A_247 = arith.index_cast %sub3A_203 : i32 to index
            %get3A_248 = arith.constant 80 : index
            %get3A_249 = tpu.vector_load %arg10[%get3A_247, %get3A_248] {strides = array<i32>} : memref<32x256xf32, #tpu.memory_space<vmem>>, vector<16xf32>,
            %get3A_250 = arith.constant 80 : index
            %get3A_251 = tpu.vector_load %arg11[%get3A_250] {strides = array<i32>} : memref<256xf32, #tpu.memory_space<vmem>>, vector<16xf32>,
            %max3A_252 = arith.maximumf %get3A_249, %get3A_251 : vector<16xf32>
            %swap3A_253 = arith.index_cast %sub3A_203 : i32 to index
            %swap3A_254 = arith.constant 80 : index
            %swap3A_255 = tpu.vector_load %arg10[%swap3A_253, %swap3A_254] {strides = array<i32>} : memref<32x256xf32, #tpu.memory_space<vmem>>, vector<16xf32>,
            tpu.vector_store %arg10[%swap3A_253, %swap3A_254], %max3A_252 {strides = array<i32>} : memref<32x256xf32, #tpu.memory_space<vmem>>, vector<16xf32>,
            %get3A_256 = arith.index_cast %sub3A_203 : i32 to index
            %get3A_257 = arith.constant 96 : index
            %get3A_258 = tpu.vector_load %arg10[%get3A_256, %get3A_257] {strides = array<i32>} : memref<32x256xf32, #tpu.memory_space<vmem>>, vector<16xf32>,
            %get3A_259 = arith.constant 96 : index
            %get3A_260 = tpu.vector_load %arg11[%get3A_259] {strides = array<i32>} : memref<256xf32, #tpu.memory_space<vmem>>, vector<16xf32>,
            %max3A_261 = arith.maximumf %get3A_258, %get3A_260 : vector<16xf32>
            %swap3A_262 = arith.index_cast %sub3A_203 : i32 to index
            %swap3A_263 = arith.constant 96 : index
            %swap3A_264 = tpu.vector_load %arg10[%swap3A_262, %swap3A_263] {strides = array<i32>} : memref<32x256xf32, #tpu.memory_space<vmem>>, vector<16xf32>,
            tpu.vector_store %arg10[%swap3A_262, %swap3A_263], %max3A_261 {strides = array<i32>} : memref<32x256xf32, #tpu.memory_space<vmem>>, vector<16xf32>,
            %get3A_265 = arith.index_cast %sub3A_203 : i32 to index
            %get3A_266 = arith.constant 112 : index
            %get3A_267 = tpu.vector_load %arg10[%get3A_265, %get3A_266] {strides = array<i32>} : memref<32x256xf32, #tpu.memory_space<vmem>>, vector<16xf32>,
            %get3A_268 = arith.constant 112 : index
            %get3A_269 = tpu.vector_load %arg11[%get3A_268] {strides = array<i32>} : memref<256xf32, #tpu.memory_space<vmem>>, vector<16xf32>,
            %max3A_270 = arith.maximumf %get3A_267, %get3A_269 : vector<16xf32>
            %swap3A_271 = arith.index_cast %sub3A_203 : i32 to index
            %swap3A_272 = arith.constant 112 : index
            %swap3A_273 = tpu.vector_load %arg10[%swap3A_271, %swap3A_272] {strides = array<i32>} : memref<32x256xf32, #tpu.memory_space<vmem>>, vector<16xf32>,
            tpu.vector_store %arg10[%swap3A_271, %swap3A_272], %max3A_270 {strides = array<i32>} : memref<32x256xf32, #tpu.memory_space<vmem>>, vector<16xf32>,
            %get3A_274 = arith.index_cast %sub3A_203 : i32 to index
            %get3A_275 = arith.constant 128 : index
            %get3A_276 = tpu.vector_load %arg10[%get3A_274, %get3A_275] {strides = array<i32>} : memref<32x256xf32, #tpu.memory_space<vmem>>, vector<16xf32>,
            %get3A_277 = arith.constant 128 : index
            %get3A_278 = tpu.vector_load %arg11[%get3A_277] {strides = array<i32>} : memref<256xf32, #tpu.memory_space<vmem>>, vector<16xf32>,
            %max3A_279 = arith.maximumf %get3A_276, %get3A_278 : vector<16xf32>
            %swap3A_280 = arith.index_cast %sub3A_203 : i32 to index
            %swap3A_281 = arith.constant 128 : index
            %swap3A_282 = tpu.vector_load %arg10[%swap3A_280, %swap3A_281] {strides = array<i32>} : memref<32x256xf32, #tpu.memory_space<vmem>>, vector<16xf32>,
            tpu.vector_store %arg10[%swap3A_280, %swap3A_281], %max3A_279 {strides = array<i32>} : memref<32x256xf32, #tpu.memory_space<vmem>>, vector<16xf32>,
            %get3A_283 = arith.index_cast %sub3A_203 : i32 to index
            %get3A_284 = arith.constant 144 : index
            %get3A_285 = tpu.vector_load %arg10[%get3A_283, %get3A_284] {strides = array<i32>} : memref<32x256xf32, #tpu.memory_space<vmem>>, vector<16xf32>,
            %get3A_286 = arith.constant 144 : index
            %get3A_287 = tpu.vector_load %arg11[%get3A_286] {strides = array<i32>} : memref<256xf32, #tpu.memory_space<vmem>>, vector<16xf32>,
            %max3A_288 = arith.maximumf %get3A_285, %get3A_287 : vector<16xf32>
            %swap3A_289 = arith.index_cast %sub3A_203 : i32 to index
            %swap3A_290 = arith.constant 144 : index
            %swap3A_291 = tpu.vector_load %arg10[%swap3A_289, %swap3A_290] {strides = array<i32>} : memref<32x256xf32, #tpu.memory_space<vmem>>, vector<16xf32>,
            tpu.vector_store %arg10[%swap3A_289, %swap3A_290], %max3A_288 {strides = array<i32>} : memref<32x256xf32, #tpu.memory_space<vmem>>, vector<16xf32>,
            %get3A_292 = arith.index_cast %sub3A_203 : i32 to index
            %get3A_293 = arith.constant 160 : index
            %get3A_294 = tpu.vector_load %arg10[%get3A_292, %get3A_293] {strides = array<i32>} : memref<32x256xf32, #tpu.memory_space<vmem>>, vector<16xf32>,
            %get3A_295 = arith.constant 160 : index
            %get3A_296 = tpu.vector_load %arg11[%get3A_295] {strides = array<i32>} : memref<256xf32, #tpu.memory_space<vmem>>, vector<16xf32>,
            %max3A_297 = arith.maximumf %get3A_294, %get3A_296 : vector<16xf32>
            %swap3A_298 = arith.index_cast %sub3A_203 : i32 to index
            %swap3A_299 = arith.constant 160 : index
            %swap3A_300 = tpu.vector_load %arg10[%swap3A_298, %swap3A_299] {strides = array<i32>} : memref<32x256xf32, #tpu.memory_space<vmem>>, vector<16xf32>,
            tpu.vector_store %arg10[%swap3A_298, %swap3A_299], %max3A_297 {strides = array<i32>} : memref<32x256xf32, #tpu.memory_space<vmem>>, vector<16xf32>,
            %get3A_301 = arith.index_cast %sub3A_203 : i32 to index
            %get3A_302 = arith.constant 176 : index
            %get3A_303 = tpu.vector_load %arg10[%get3A_301, %get3A_302] {strides = array<i32>} : memref<32x256xf32, #tpu.memory_space<vmem>>, vector<16xf32>,
            %get3A_304 = arith.constant 176 : index
            %get3A_305 = tpu.vector_load %arg11[%get3A_304] {strides = array<i32>} : memref<256xf32, #tpu.memory_space<vmem>>, vector<16xf32>,
            %max3A_306 = arith.maximumf %get3A_303, %get3A_305 : vector<16xf32>
            %swap3A_307 = arith.index_cast %sub3A_203 : i32 to index
            %swap3A_308 = arith.constant 176 : index
            %swap3A_309 = tpu.vector_load %arg10[%swap3A_307, %swap3A_308] {strides = array<i32>} : memref<32x256xf32, #tpu.memory_space<vmem>>, vector<16xf32>,
            tpu.vector_store %arg10[%swap3A_307, %swap3A_308], %max3A_306 {strides = array<i32>} : memref<32x256xf32, #tpu.memory_space<vmem>>, vector<16xf32>,
            %get3A_310 = arith.index_cast %sub3A_203 : i32 to index
            %get3A_311 = arith.constant 192 : index
            %get3A_312 = tpu.vector_load %arg10[%get3A_310, %get3A_311] {strides = array<i32>} : memref<32x256xf32, #tpu.memory_space<vmem>>, vector<16xf32>,
            %get3A_313 = arith.constant 192 : index
            %get3A_314 = tpu.vector_load %arg11[%get3A_313] {strides = array<i32>} : memref<256xf32, #tpu.memory_space<vmem>>, vector<16xf32>,
            %max3A_315 = arith.maximumf %get3A_312, %get3A_314 : vector<16xf32>
            %swap3A_316 = arith.index_cast %sub3A_203 : i32 to index
            %swap3A_317 = arith.constant 192 : index
            %swap3A_318 = tpu.vector_load %arg10[%swap3A_316, %swap3A_317] {strides = array<i32>} : memref<32x256xf32, #tpu.memory_space<vmem>>, vector<16xf32>,
            tpu.vector_store %arg10[%swap3A_316, %swap3A_317], %max3A_315 {strides = array<i32>} : memref<32x256xf32, #tpu.memory_space<vmem>>, vector<16xf32>,
            %get3A_319 = arith.index_cast %sub3A_203 : i32 to index
            %get3A_320 = arith.constant 208 : index
            %get3A_321 = tpu.vector_load %arg10[%get3A_319, %get3A_320] {strides = array<i32>} : memref<32x256xf32, #tpu.memory_space<vmem>>, vector<16xf32>,
            %get3A_322 = arith.constant 208 : index
            %get3A_323 = tpu.vector_load %arg11[%get3A_322] {strides = array<i32>} : memref<256xf32, #tpu.memory_space<vmem>>, vector<16xf32>,
            %max3A_324 = arith.maximumf %get3A_321, %get3A_323 : vector<16xf32>
            %swap3A_325 = arith.index_cast %sub3A_203 : i32 to index
            %swap3A_326 = arith.constant 208 : index
            %swap3A_327 = tpu.vector_load %arg10[%swap3A_325, %swap3A_326] {strides = array<i32>} : memref<32x256xf32, #tpu.memory_space<vmem>>, vector<16xf32>,
            tpu.vector_store %arg10[%swap3A_325, %swap3A_326], %max3A_324 {strides = array<i32>} : memref<32x256xf32, #tpu.memory_space<vmem>>, vector<16xf32>,
            %get3A_328 = arith.index_cast %sub3A_203 : i32 to index
            %get3A_329 = arith.constant 224 : index
            %get3A_330 = tpu.vector_load %arg10[%get3A_328, %get3A_329] {strides = array<i32>} : memref<32x256xf32, #tpu.memory_space<vmem>>, vector<16xf32>,
            %get3A_331 = arith.constant 224 : index
            %get3A_332 = tpu.vector_load %arg11[%get3A_331] {strides = array<i32>} : memref<256xf32, #tpu.memory_space<vmem>>, vector<16xf32>,
            %max3A_333 = arith.maximumf %get3A_330, %get3A_332 : vector<16xf32>
            %swap3A_334 = arith.index_cast %sub3A_203 : i32 to index
            %swap3A_335 = arith.constant 224 : index
            %swap3A_336 = tpu.vector_load %arg10[%swap3A_334, %swap3A_335] {strides = array<i32>} : memref<32x256xf32, #tpu.memory_space<vmem>>, vector<16xf32>,
            tpu.vector_store %arg10[%swap3A_334, %swap3A_335], %max3A_333 {strides = array<i32>} : memref<32x256xf32, #tpu.memory_space<vmem>>, vector<16xf32>,
            %get3A_337 = arith.index_cast %sub3A_203 : i32 to index
            %get3A_338 = arith.constant 240 : index
            %get3A_339 = tpu.vector_load %arg10[%get3A_337, %get3A_338] {strides = array<i32>} : memref<32x256xf32, #tpu.memory_space<vmem>>, vector<16xf32>,
            %get3A_340 = arith.constant 240 : index
            %get3A_341 = tpu.vector_load %arg11[%get3A_340] {strides = array<i32>} : memref<256xf32, #tpu.memory_space<vmem>>, vector<16xf32>,
            %max3A_342 = arith.maximumf %get3A_339, %get3A_341 : vector<16xf32>
            %swap3A_343 = arith.index_cast %sub3A_203 : i32 to index
            %swap3A_344 = arith.constant 240 : index
            %swap3A_345 = tpu.vector_load %arg10[%swap3A_343, %swap3A_344] {strides = array<i32>} : memref<32x256xf32, #tpu.memory_space<vmem>>, vector<16xf32>,
            tpu.vector_store %arg10[%swap3A_343, %swap3A_344], %max3A_342 {strides = array<i32>} : memref<32x256xf32, #tpu.memory_space<vmem>>, vector<16xf32>,
          } else {
          }
          %scan3A_198 = arith.constant 0 : i32
          scf.yield %scan3A_198 : i32
        }
        %scan3A_183 = arith.constant 16 : i32
      } else {
      }
      %while3A_176 = arith.constant 0 : i32
      scf.yield %while3A_176 : i32
    }
    %while3A_143 = arith.constant 1 : i32
    %while3A_144 = scf.for %while3A_154 = %while3A_140 to %while3A_136 step %while3A_143 iter_args(%while3A_155 = %while3A_142) -> (i32)  : i32 {
      %mul3A_156 = arith.constant 16 : i32
      %mul3A_157 = arith.muli %while3A_154, %mul3A_156 : i32
      %multiple_of3A = tpu.assume_multiple %mul3A_157, 16 : i32
      %get3A = arith.index_cast %multiple_of3A : i32 to index
      %get3A_158 = tpu.vector_load %arg9[%get3A] {strides = array<i32>} : memref<10240xi32, #tpu.memory_space<vmem>>, vector<16xi32>,
      %add3A_159 = vector.broadcast %mul3A_157 : i32 to vector<16xi32>
      %add3A_160 = arith.addi %iota3A, %add3A_159 : vector<16xi32>
      %eq3A = arith.constant 0 : i32
      %eq3A_161 = vector.broadcast %eq3A : i32 to vector<16xi32>
      %eq3A_162 = arith.cmpi eq, %get3A_158, %eq3A_161 : vector<16xi32>
      %ge3A = vector.broadcast %scan3A_50#0 : i32 to vector<16xi32>
      %ge3A_163 = arith.cmpi sge, %add3A_160, %ge3A : vector<16xi32>
      %and3A_164 = arith.andi %eq3A_162, %ge3A_163 : vector<16xi1>
      %lt3A = vector.broadcast %scan3A_60#0 : i32 to vector<16xi32>
      %lt3A_165 = arith.cmpi slt, %add3A_160, %lt3A : vector<16xi32>
      %and3A_166 = arith.andi %and3A_164, %lt3A_165 : vector<16xi1>
      %all_reduce_population_count3A = tpu.all_reduce %and3A_166 {dim = 0 : i64, kind = #tpu.reduction_kind<sum>} : vector<16xi1> -> vector<16xi32>
      %reduce_max3A = arith.constant true
      %reduce_max3A_167 = vector.broadcast %reduce_max3A : i1 to vector<16xi1>
      %reduce_max3A_168 = arith.constant -2147483648 : i32
      %reduce_max3A_169 = vector.broadcast %reduce_max3A_168 : i32 to vector<16xi32>
      %reduce_max3A_170 = arith.xori %all_reduce_population_count3A, %reduce_max3A_169 : vector<16xi32>
      %reduce_max3A_171 = tpu.scan <max>, %reduce_max3A_170 masked %reduce_max3A_167 : vector<16xi32>, vector<16xi1> -> vector<16xi32>
      %reduce_max3A_172 = arith.xori %reduce_max3A_171, %reduce_max3A_169 : vector<16xi32>
      %reduce_max3A_173 = vector.extract %reduce_max3A_172[15] : i32 from vector<16xi32>
      %gt3A = arith.constant 0 : i32
      %gt3A_174 = arith.cmpi sgt, %reduce_max3A_173, %gt3A : i32
      %convert_element_type3A = arith.extui %gt3A_174 : i1 to i32
      %cond3A = arith.constant 0 : i32
      %cond3A_175 = arith.cmpi ne, %convert_element_type3A, %cond3A : i32
      scf.if %cond3A_175 {
        %scan3A_177 = arith.constant 0 : i32
        %scan3A_178 = arith.constant 0 : i32
        %scan3A_179 = arith.constant 16 : i32
        %scan3A_180 = arith.addi %scan3A_178, %scan3A_179 : i32
        %scan3A_181 = arith.constant 1 : i32
        %scan3A_182 = scf.for %scan3A_184 = %scan3A_178 to %scan3A_180 step %scan3A_181 iter_args(%scan3A_185 = %scan3A_177) -> (i32)  : i32 {
          %add3A_186 = arith.addi %mul3A_157, %scan3A_184 : i32
          %get3A_187 = arith.index_cast %add3A_186 : i32 to index
          %get3A_188 = tpu.vector_load %arg9[%get3A_187] {strides = array<i32>} : memref<10240xi32, #tpu.memory_space<vmem>>, vector<16xi32>,
          %slice3A = vector.extract_strided_slice %get3A_188 {offsets = [0], sizes = [1], strides = [1]} : vector<16xi32> to vector<1xi32>
          %squeeze3A = vector.extract %slice3A[0] : i32 from vector<1xi32>
          %ge3A_189 = arith.cmpi sge, %add3A_186, %scan3A_50#0 : i32
          %lt3A_190 = arith.cmpi slt, %add3A_186, %scan3A_60#0 : i32
          %and3A_191 = arith.andi %ge3A_189, %lt3A_190 : i1
          %eq3A_192 = arith.constant 0 : i32
          %eq3A_193 = arith.cmpi eq, %squeeze3A, %eq3A_192 : i32
          %and3A_194 = arith.andi %and3A_191, %eq3A_193 : i1
          %convert_element_type3A_195 = arith.extui %and3A_194 : i1 to i32
          %cond3A_196 = arith.constant 0 : i32
          %cond3A_197 = arith.cmpi ne, %convert_element_type3A_195, %cond3A_196 : i32
          scf.if %cond3A_197 {
            %get3A_199 = arith.index_cast %add3A_186 : i32 to index
            %get3A_200 = tpu.vector_load %arg8[%get3A_199] {strides = array<i32>} : memref<10240xi32, #tpu.memory_space<vmem>>, vector<16xi32>,
            %slice3A_201 = vector.extract_strided_slice %get3A_200 {offsets = [0], sizes = [1], strides = [1]} : vector<16xi32> to vector<1xi32>
            %squeeze3A_202 = vector.extract %slice3A_201[0] : i32 from vector<1xi32>
            %sub3A_203 = arith.subi %squeeze3A_202, %mul3A_2 : i32
            "tpu.region"() ({
              %run_scoped3A = tpu.sem_alloc : memref<!tpu.dma_semaphore, #tpu.memory_space<semaphore_mem>>
              %dma_start3A_346 = arith.constant 0 : i32
              %dma_start3A_347 = tpu.memref_slice %arg4[%add3A_186, %dma_start3A_346] : memref<10000x256xf32, #tpu.memory_space<hbm>> -> memref<1x256xf32, #tpu.memory_space<hbm>>
              %dma_start3A_348 = tpu.memref_squeeze %dma_start3A_347 : memref<1x256xf32, #tpu.memory_space<hbm>> -> memref<256xf32, #tpu.memory_space<hbm>>
              %dma_start3A_349 = arith.constant 0 : i32
              %dma_start3A_350 = tpu.memref_slice %arg4[%add3A_186, %dma_start3A_349] : memref<10000x256xf32, #tpu.memory_space<hbm>> -> memref<1x256xf32, #tpu.memory_space<hbm>>
              %dma_start3A_351 = tpu.memref_squeeze %dma_start3A_350 : memref<1x256xf32, #tpu.memory_space<hbm>> -> memref<256xf32, #tpu.memory_space<hbm>>
              tpu.enqueue_dma source(%dma_start3A_351 : memref<256xf32, #tpu.memory_space<hbm>>) target(%arg11 : memref<256xf32, #tpu.memory_space<vmem>>) target_semaphore(%run_scoped3A : memref<!tpu.dma_semaphore, #tpu.memory_space<semaphore_mem>>)
              %dma_wait3A_352 = arith.constant 0 : i32
              %dma_wait3A_353 = tpu.memref_slice %arg4[%add3A_186, %dma_wait3A_352] : memref<10000x256xf32, #tpu.memory_space<hbm>> -> memref<1x256xf32, #tpu.memory_space<hbm>>
              %dma_wait3A_354 = tpu.memref_squeeze %dma_wait3A_353 : memref<1x256xf32, #tpu.memory_space<hbm>> -> memref<256xf32, #tpu.memory_space<hbm>>
              %dma_wait3A_355 = arith.constant 0 : i32
              %dma_wait3A_356 = tpu.memref_slice %arg4[%add3A_186, %dma_wait3A_355] : memref<10000x256xf32, #tpu.memory_space<hbm>> -> memref<1x256xf32, #tpu.memory_space<hbm>>
              %dma_wait3A_357 = tpu.memref_squeeze %dma_wait3A_356 : memref<1x256xf32, #tpu.memory_space<hbm>> -> memref<256xf32, #tpu.memory_space<hbm>>
              tpu.wait_dma2 semaphore(%run_scoped3A : memref<!tpu.dma_semaphore, #tpu.memory_space<semaphore_mem>>) src(%dma_wait3A_357 : memref<256xf32, #tpu.memory_space<hbm>>) dst(%arg11 : memref<256xf32, #tpu.memory_space<vmem>>)
              tpu.yield
            }) : () -> ()
            %get3A_204 = arith.index_cast %sub3A_203 : i32 to index
            %get3A_205 = arith.constant 0 : index
            %get3A_206 = tpu.vector_load %arg10[%get3A_204, %get3A_205] {strides = array<i32>} : memref<32x256xf32, #tpu.memory_space<vmem>>, vector<16xf32>,
            %get3A_207 = arith.constant 0 : index
            %get3A_208 = tpu.vector_load %arg11[%get3A_207] {strides = array<i32>} : memref<256xf32, #tpu.memory_space<vmem>>, vector<16xf32>,
            %max3A = arith.maximumf %get3A_206, %get3A_208 : vector<16xf32>
            %swap3A = arith.index_cast %sub3A_203 : i32 to index
            %swap3A_209 = arith.constant 0 : index
            %swap3A_210 = tpu.vector_load %arg10[%swap3A, %swap3A_209] {strides = array<i32>} : memref<32x256xf32, #tpu.memory_space<vmem>>, vector<16xf32>,
            tpu.vector_store %arg10[%swap3A, %swap3A_209], %max3A {strides = array<i32>} : memref<32x256xf32, #tpu.memory_space<vmem>>, vector<16xf32>,
            %get3A_211 = arith.index_cast %sub3A_203 : i32 to index
            %get3A_212 = arith.constant 16 : index
            %get3A_213 = tpu.vector_load %arg10[%get3A_211, %get3A_212] {strides = array<i32>} : memref<32x256xf32, #tpu.memory_space<vmem>>, vector<16xf32>,
            %get3A_214 = arith.constant 16 : index
            %get3A_215 = tpu.vector_load %arg11[%get3A_214] {strides = array<i32>} : memref<256xf32, #tpu.memory_space<vmem>>, vector<16xf32>,
            %max3A_216 = arith.maximumf %get3A_213, %get3A_215 : vector<16xf32>
            %swap3A_217 = arith.index_cast %sub3A_203 : i32 to index
            %swap3A_218 = arith.constant 16 : index
            %swap3A_219 = tpu.vector_load %arg10[%swap3A_217, %swap3A_218] {strides = array<i32>} : memref<32x256xf32, #tpu.memory_space<vmem>>, vector<16xf32>,
            tpu.vector_store %arg10[%swap3A_217, %swap3A_218], %max3A_216 {strides = array<i32>} : memref<32x256xf32, #tpu.memory_space<vmem>>, vector<16xf32>,
            %get3A_220 = arith.index_cast %sub3A_203 : i32 to index
            %get3A_221 = arith.constant 32 : index
            %get3A_222 = tpu.vector_load %arg10[%get3A_220, %get3A_221] {strides = array<i32>} : memref<32x256xf32, #tpu.memory_space<vmem>>, vector<16xf32>,
            %get3A_223 = arith.constant 32 : index
            %get3A_224 = tpu.vector_load %arg11[%get3A_223] {strides = array<i32>} : memref<256xf32, #tpu.memory_space<vmem>>, vector<16xf32>,
            %max3A_225 = arith.maximumf %get3A_222, %get3A_224 : vector<16xf32>
            %swap3A_226 = arith.index_cast %sub3A_203 : i32 to index
            %swap3A_227 = arith.constant 32 : index
            %swap3A_228 = tpu.vector_load %arg10[%swap3A_226, %swap3A_227] {strides = array<i32>} : memref<32x256xf32, #tpu.memory_space<vmem>>, vector<16xf32>,
            tpu.vector_store %arg10[%swap3A_226, %swap3A_227], %max3A_225 {strides = array<i32>} : memref<32x256xf32, #tpu.memory_space<vmem>>, vector<16xf32>,
            %get3A_229 = arith.index_cast %sub3A_203 : i32 to index
            %get3A_230 = arith.constant 48 : index
            %get3A_231 = tpu.vector_load %arg10[%get3A_229, %get3A_230] {strides = array<i32>} : memref<32x256xf32, #tpu.memory_space<vmem>>, vector<16xf32>,
            %get3A_232 = arith.constant 48 : index
            %get3A_233 = tpu.vector_load %arg11[%get3A_232] {strides = array<i32>} : memref<256xf32, #tpu.memory_space<vmem>>, vector<16xf32>,
            %max3A_234 = arith.maximumf %get3A_231, %get3A_233 : vector<16xf32>
            %swap3A_235 = arith.index_cast %sub3A_203 : i32 to index
            %swap3A_236 = arith.constant 48 : index
            %swap3A_237 = tpu.vector_load %arg10[%swap3A_235, %swap3A_236] {strides = array<i32>} : memref<32x256xf32, #tpu.memory_space<vmem>>, vector<16xf32>,
            tpu.vector_store %arg10[%swap3A_235, %swap3A_236], %max3A_234 {strides = array<i32>} : memref<32x256xf32, #tpu.memory_space<vmem>>, vector<16xf32>,
            %get3A_238 = arith.index_cast %sub3A_203 : i32 to index
            %get3A_239 = arith.constant 64 : index
            %get3A_240 = tpu.vector_load %arg10[%get3A_238, %get3A_239] {strides = array<i32>} : memref<32x256xf32, #tpu.memory_space<vmem>>, vector<16xf32>,
            %get3A_241 = arith.constant 64 : index
            %get3A_242 = tpu.vector_load %arg11[%get3A_241] {strides = array<i32>} : memref<256xf32, #tpu.memory_space<vmem>>, vector<16xf32>,
            %max3A_243 = arith.maximumf %get3A_240, %get3A_242 : vector<16xf32>
            %swap3A_244 = arith.index_cast %sub3A_203 : i32 to index
            %swap3A_245 = arith.constant 64 : index
            %swap3A_246 = tpu.vector_load %arg10[%swap3A_244, %swap3A_245] {strides = array<i32>} : memref<32x256xf32, #tpu.memory_space<vmem>>, vector<16xf32>,
            tpu.vector_store %arg10[%swap3A_244, %swap3A_245], %max3A_243 {strides = array<i32>} : memref<32x256xf32, #tpu.memory_space<vmem>>, vector<16xf32>,
            %get3A_247 = arith.index_cast %sub3A_203 : i32 to index
            %get3A_248 = arith.constant 80 : index
            %get3A_249 = tpu.vector_load %arg10[%get3A_247, %get3A_248] {strides = array<i32>} : memref<32x256xf32, #tpu.memory_space<vmem>>, vector<16xf32>,
            %get3A_250 = arith.constant 80 : index
            %get3A_251 = tpu.vector_load %arg11[%get3A_250] {strides = array<i32>} : memref<256xf32, #tpu.memory_space<vmem>>, vector<16xf32>,
            %max3A_252 = arith.maximumf %get3A_249, %get3A_251 : vector<16xf32>
            %swap3A_253 = arith.index_cast %sub3A_203 : i32 to index
            %swap3A_254 = arith.constant 80 : index
            %swap3A_255 = tpu.vector_load %arg10[%swap3A_253, %swap3A_254] {strides = array<i32>} : memref<32x256xf32, #tpu.memory_space<vmem>>, vector<16xf32>,
            tpu.vector_store %arg10[%swap3A_253, %swap3A_254], %max3A_252 {strides = array<i32>} : memref<32x256xf32, #tpu.memory_space<vmem>>, vector<16xf32>,
            %get3A_256 = arith.index_cast %sub3A_203 : i32 to index
            %get3A_257 = arith.constant 96 : index
            %get3A_258 = tpu.vector_load %arg10[%get3A_256, %get3A_257] {strides = array<i32>} : memref<32x256xf32, #tpu.memory_space<vmem>>, vector<16xf32>,
            %get3A_259 = arith.constant 96 : index
            %get3A_260 = tpu.vector_load %arg11[%get3A_259] {strides = array<i32>} : memref<256xf32, #tpu.memory_space<vmem>>, vector<16xf32>,
            %max3A_261 = arith.maximumf %get3A_258, %get3A_260 : vector<16xf32>
            %swap3A_262 = arith.index_cast %sub3A_203 : i32 to index
            %swap3A_263 = arith.constant 96 : index
            %swap3A_264 = tpu.vector_load %arg10[%swap3A_262, %swap3A_263] {strides = array<i32>} : memref<32x256xf32, #tpu.memory_space<vmem>>, vector<16xf32>,
            tpu.vector_store %arg10[%swap3A_262, %swap3A_263], %max3A_261 {strides = array<i32>} : memref<32x256xf32, #tpu.memory_space<vmem>>, vector<16xf32>,
            %get3A_265 = arith.index_cast %sub3A_203 : i32 to index
            %get3A_266 = arith.constant 112 : index
            %get3A_267 = tpu.vector_load %arg10[%get3A_265, %get3A_266] {strides = array<i32>} : memref<32x256xf32, #tpu.memory_space<vmem>>, vector<16xf32>,
            %get3A_268 = arith.constant 112 : index
            %get3A_269 = tpu.vector_load %arg11[%get3A_268] {strides = array<i32>} : memref<256xf32, #tpu.memory_space<vmem>>, vector<16xf32>,
            %max3A_270 = arith.maximumf %get3A_267, %get3A_269 : vector<16xf32>
            %swap3A_271 = arith.index_cast %sub3A_203 : i32 to index
            %swap3A_272 = arith.constant 112 : index
            %swap3A_273 = tpu.vector_load %arg10[%swap3A_271, %swap3A_272] {strides = array<i32>} : memref<32x256xf32, #tpu.memory_space<vmem>>, vector<16xf32>,
            tpu.vector_store %arg10[%swap3A_271, %swap3A_272], %max3A_270 {strides = array<i32>} : memref<32x256xf32, #tpu.memory_space<vmem>>, vector<16xf32>,
            %get3A_274 = arith.index_cast %sub3A_203 : i32 to index
            %get3A_275 = arith.constant 128 : index
            %get3A_276 = tpu.vector_load %arg10[%get3A_274, %get3A_275] {strides = array<i32>} : memref<32x256xf32, #tpu.memory_space<vmem>>, vector<16xf32>,
            %get3A_277 = arith.constant 128 : index
            %get3A_278 = tpu.vector_load %arg11[%get3A_277] {strides = array<i32>} : memref<256xf32, #tpu.memory_space<vmem>>, vector<16xf32>,
            %max3A_279 = arith.maximumf %get3A_276, %get3A_278 : vector<16xf32>
            %swap3A_280 = arith.index_cast %sub3A_203 : i32 to index
            %swap3A_281 = arith.constant 128 : index
            %swap3A_282 = tpu.vector_load %arg10[%swap3A_280, %swap3A_281] {strides = array<i32>} : memref<32x256xf32, #tpu.memory_space<vmem>>, vector<16xf32>,
            tpu.vector_store %arg10[%swap3A_280, %swap3A_281], %max3A_279 {strides = array<i32>} : memref<32x256xf32, #tpu.memory_space<vmem>>, vector<16xf32>,
            %get3A_283 = arith.index_cast %sub3A_203 : i32 to index
            %get3A_284 = arith.constant 144 : index
            %get3A_285 = tpu.vector_load %arg10[%get3A_283, %get3A_284] {strides = array<i32>} : memref<32x256xf32, #tpu.memory_space<vmem>>, vector<16xf32>,
            %get3A_286 = arith.constant 144 : index
            %get3A_287 = tpu.vector_load %arg11[%get3A_286] {strides = array<i32>} : memref<256xf32, #tpu.memory_space<vmem>>, vector<16xf32>,
            %max3A_288 = arith.maximumf %get3A_285, %get3A_287 : vector<16xf32>
            %swap3A_289 = arith.index_cast %sub3A_203 : i32 to index
            %swap3A_290 = arith.constant 144 : index
            %swap3A_291 = tpu.vector_load %arg10[%swap3A_289, %swap3A_290] {strides = array<i32>} : memref<32x256xf32, #tpu.memory_space<vmem>>, vector<16xf32>,
            tpu.vector_store %arg10[%swap3A_289, %swap3A_290], %max3A_288 {strides = array<i32>} : memref<32x256xf32, #tpu.memory_space<vmem>>, vector<16xf32>,
            %get3A_292 = arith.index_cast %sub3A_203 : i32 to index
            %get3A_293 = arith.constant 160 : index
            %get3A_294 = tpu.vector_load %arg10[%get3A_292, %get3A_293] {strides = array<i32>} : memref<32x256xf32, #tpu.memory_space<vmem>>, vector<16xf32>,
            %get3A_295 = arith.constant 160 : index
            %get3A_296 = tpu.vector_load %arg11[%get3A_295] {strides = array<i32>} : memref<256xf32, #tpu.memory_space<vmem>>, vector<16xf32>,
            %max3A_297 = arith.maximumf %get3A_294, %get3A_296 : vector<16xf32>
            %swap3A_298 = arith.index_cast %sub3A_203 : i32 to index
            %swap3A_299 = arith.constant 160 : index
            %swap3A_300 = tpu.vector_load %arg10[%swap3A_298, %swap3A_299] {strides = array<i32>} : memref<32x256xf32, #tpu.memory_space<vmem>>, vector<16xf32>,
            tpu.vector_store %arg10[%swap3A_298, %swap3A_299], %max3A_297 {strides = array<i32>} : memref<32x256xf32, #tpu.memory_space<vmem>>, vector<16xf32>,
            %get3A_301 = arith.index_cast %sub3A_203 : i32 to index
            %get3A_302 = arith.constant 176 : index
            %get3A_303 = tpu.vector_load %arg10[%get3A_301, %get3A_302] {strides = array<i32>} : memref<32x256xf32, #tpu.memory_space<vmem>>, vector<16xf32>,
            %get3A_304 = arith.constant 176 : index
            %get3A_305 = tpu.vector_load %arg11[%get3A_304] {strides = array<i32>} : memref<256xf32, #tpu.memory_space<vmem>>, vector<16xf32>,
            %max3A_306 = arith.maximumf %get3A_303, %get3A_305 : vector<16xf32>
            %swap3A_307 = arith.index_cast %sub3A_203 : i32 to index
            %swap3A_308 = arith.constant 176 : index
            %swap3A_309 = tpu.vector_load %arg10[%swap3A_307, %swap3A_308] {strides = array<i32>} : memref<32x256xf32, #tpu.memory_space<vmem>>, vector<16xf32>,
            tpu.vector_store %arg10[%swap3A_307, %swap3A_308], %max3A_306 {strides = array<i32>} : memref<32x256xf32, #tpu.memory_space<vmem>>, vector<16xf32>,
            %get3A_310 = arith.index_cast %sub3A_203 : i32 to index
            %get3A_311 = arith.constant 192 : index
            %get3A_312 = tpu.vector_load %arg10[%get3A_310, %get3A_311] {strides = array<i32>} : memref<32x256xf32, #tpu.memory_space<vmem>>, vector<16xf32>,
            %get3A_313 = arith.constant 192 : index
            %get3A_314 = tpu.vector_load %arg11[%get3A_313] {strides = array<i32>} : memref<256xf32, #tpu.memory_space<vmem>>, vector<16xf32>,
            %max3A_315 = arith.maximumf %get3A_312, %get3A_314 : vector<16xf32>
            %swap3A_316 = arith.index_cast %sub3A_203 : i32 to index
            %swap3A_317 = arith.constant 192 : index
            %swap3A_318 = tpu.vector_load %arg10[%swap3A_316, %swap3A_317] {strides = array<i32>} : memref<32x256xf32, #tpu.memory_space<vmem>>, vector<16xf32>,
            tpu.vector_store %arg10[%swap3A_316, %swap3A_317], %max3A_315 {strides = array<i32>} : memref<32x256xf32, #tpu.memory_space<vmem>>, vector<16xf32>,
            %get3A_319 = arith.index_cast %sub3A_203 : i32 to index
            %get3A_320 = arith.constant 208 : index
            %get3A_321 = tpu.vector_load %arg10[%get3A_319, %get3A_320] {strides = array<i32>} : memref<32x256xf32, #tpu.memory_space<vmem>>, vector<16xf32>,
            %get3A_322 = arith.constant 208 : index
            %get3A_323 = tpu.vector_load %arg11[%get3A_322] {strides = array<i32>} : memref<256xf32, #tpu.memory_space<vmem>>, vector<16xf32>,
            %max3A_324 = arith.maximumf %get3A_321, %get3A_323 : vector<16xf32>
            %swap3A_325 = arith.index_cast %sub3A_203 : i32 to index
            %swap3A_326 = arith.constant 208 : index
            %swap3A_327 = tpu.vector_load %arg10[%swap3A_325, %swap3A_326] {strides = array<i32>} : memref<32x256xf32, #tpu.memory_space<vmem>>, vector<16xf32>,
            tpu.vector_store %arg10[%swap3A_325, %swap3A_326], %max3A_324 {strides = array<i32>} : memref<32x256xf32, #tpu.memory_space<vmem>>, vector<16xf32>,
            %get3A_328 = arith.index_cast %sub3A_203 : i32 to index
            %get3A_329 = arith.constant 224 : index
            %get3A_330 = tpu.vector_load %arg10[%get3A_328, %get3A_329] {strides = array<i32>} : memref<32x256xf32, #tpu.memory_space<vmem>>, vector<16xf32>,
            %get3A_331 = arith.constant 224 : index
            %get3A_332 = tpu.vector_load %arg11[%get3A_331] {strides = array<i32>} : memref<256xf32, #tpu.memory_space<vmem>>, vector<16xf32>,
            %max3A_333 = arith.maximumf %get3A_330, %get3A_332 : vector<16xf32>
            %swap3A_334 = arith.index_cast %sub3A_203 : i32 to index
            %swap3A_335 = arith.constant 224 : index
            %swap3A_336 = tpu.vector_load %arg10[%swap3A_334, %swap3A_335] {strides = array<i32>} : memref<32x256xf32, #tpu.memory_space<vmem>>, vector<16xf32>,
            tpu.vector_store %arg10[%swap3A_334, %swap3A_335], %max3A_333 {strides = array<i32>} : memref<32x256xf32, #tpu.memory_space<vmem>>, vector<16xf32>,
            %get3A_337 = arith.index_cast %sub3A_203 : i32 to index
            %get3A_338 = arith.constant 240 : index
            %get3A_339 = tpu.vector_load %arg10[%get3A_337, %get3A_338] {strides = array<i32>} : memref<32x256xf32, #tpu.memory_space<vmem>>, vector<16xf32>,
            %get3A_340 = arith.constant 240 : index
            %get3A_341 = tpu.vector_load %arg11[%get3A_340] {strides = array<i32>} : memref<256xf32, #tpu.memory_space<vmem>>, vector<16xf32>,
            %max3A_342 = arith.maximumf %get3A_339, %get3A_341 : vector<16xf32>
            %swap3A_343 = arith.index_cast %sub3A_203 : i32 to index
            %swap3A_344 = arith.constant 240 : index
            %swap3A_345 = tpu.vector_load %arg10[%swap3A_343, %swap3A_344] {strides = array<i32>} : memref<32x256xf32, #tpu.memory_space<vmem>>, vector<16xf32>,
            tpu.vector_store %arg10[%swap3A_343, %swap3A_344], %max3A_342 {strides = array<i32>} : memref<32x256xf32, #tpu.memory_space<vmem>>, vector<16xf32>,
          } else {
          }
          %scan3A_198 = arith.constant 0 : i32
          scf.yield %scan3A_198 : i32
        }
        %scan3A_183 = arith.constant 16 : i32
      } else {
      }
      %while3A_176 = arith.constant 0 : i32
      scf.yield %while3A_176 : i32
    }
    %broadcast_in_dim3A_145 = arith.constant 0.000000e+00 : f32
    %broadcast_in_dim3A_146 = vector.broadcast %broadcast_in_dim3A_145 : f32 to vector<16xf32>
    %scan3A_147 = arith.constant 0 : i32
    %scan3A_148 = arith.constant 0 : i32
    %scan3A_149 = arith.constant 32 : i32
    %scan3A_150 = arith.addi %scan3A_148, %scan3A_149 : i32
    %scan3A_151 = arith.constant 1 : i32
    %scan3A_152 = scf.for %scan3A_154 = %scan3A_148 to %scan3A_150 step %scan3A_151 iter_args(%scan3A_155 = %scan3A_147) -> (i32)  : i32 {
      %get3A = arith.index_cast %scan3A_154 : i32 to index
      %get3A_156 = arith.constant 0 : index
      %get3A_157 = tpu.vector_load %arg10[%get3A, %get3A_156] {strides = array<i32>} : memref<32x256xf32, #tpu.memory_space<vmem>>, vector<16xf32>,
      %eq3A = arith.cmpf oeq, %get3A_157, %broadcast_in_dim3A_121 : vector<16xf32>
      %select_n3A_158 = arith.select %eq3A, %broadcast_in_dim3A_146, %get3A_157 : vector<16xi1>, vector<16xf32>
      %swap3A = arith.index_cast %scan3A_154 : i32 to index
      %swap3A_159 = arith.constant 0 : index
      %swap3A_160 = tpu.vector_load %arg10[%swap3A, %swap3A_159] {strides = array<i32>} : memref<32x256xf32, #tpu.memory_space<vmem>>, vector<16xf32>,
      tpu.vector_store %arg10[%swap3A, %swap3A_159], %select_n3A_158 {strides = array<i32>} : memref<32x256xf32, #tpu.memory_space<vmem>>, vector<16xf32>,
      %get3A_161 = arith.index_cast %scan3A_154 : i32 to index
      %get3A_162 = arith.constant 16 : index
      %get3A_163 = tpu.vector_load %arg10[%get3A_161, %get3A_162] {strides = array<i32>} : memref<32x256xf32, #tpu.memory_space<vmem>>, vector<16xf32>,
      %eq3A_164 = arith.cmpf oeq, %get3A_163, %broadcast_in_dim3A_121 : vector<16xf32>
      %select_n3A_165 = arith.select %eq3A_164, %broadcast_in_dim3A_146, %get3A_163 : vector<16xi1>, vector<16xf32>
      %swap3A_166 = arith.index_cast %scan3A_154 : i32 to index
      %swap3A_167 = arith.constant 16 : index
      %swap3A_168 = tpu.vector_load %arg10[%swap3A_166, %swap3A_167] {strides = array<i32>} : memref<32x256xf32, #tpu.memory_space<vmem>>, vector<16xf32>,
      tpu.vector_store %arg10[%swap3A_166, %swap3A_167], %select_n3A_165 {strides = array<i32>} : memref<32x256xf32, #tpu.memory_space<vmem>>, vector<16xf32>,
      %get3A_169 = arith.index_cast %scan3A_154 : i32 to index
      %get3A_170 = arith.constant 32 : index
      %get3A_171 = tpu.vector_load %arg10[%get3A_169, %get3A_170] {strides = array<i32>} : memref<32x256xf32, #tpu.memory_space<vmem>>, vector<16xf32>,
      %eq3A_172 = arith.cmpf oeq, %get3A_171, %broadcast_in_dim3A_121 : vector<16xf32>
      %select_n3A_173 = arith.select %eq3A_172, %broadcast_in_dim3A_146, %get3A_171 : vector<16xi1>, vector<16xf32>
      %swap3A_174 = arith.index_cast %scan3A_154 : i32 to index
      %swap3A_175 = arith.constant 32 : index
      %swap3A_176 = tpu.vector_load %arg10[%swap3A_174, %swap3A_175] {strides = array<i32>} : memref<32x256xf32, #tpu.memory_space<vmem>>, vector<16xf32>,
      tpu.vector_store %arg10[%swap3A_174, %swap3A_175], %select_n3A_173 {strides = array<i32>} : memref<32x256xf32, #tpu.memory_space<vmem>>, vector<16xf32>,
      %get3A_177 = arith.index_cast %scan3A_154 : i32 to index
      %get3A_178 = arith.constant 48 : index
      %get3A_179 = tpu.vector_load %arg10[%get3A_177, %get3A_178] {strides = array<i32>} : memref<32x256xf32, #tpu.memory_space<vmem>>, vector<16xf32>,
      %eq3A_180 = arith.cmpf oeq, %get3A_179, %broadcast_in_dim3A_121 : vector<16xf32>
      %select_n3A_181 = arith.select %eq3A_180, %broadcast_in_dim3A_146, %get3A_179 : vector<16xi1>, vector<16xf32>
      %swap3A_182 = arith.index_cast %scan3A_154 : i32 to index
      %swap3A_183 = arith.constant 48 : index
      %swap3A_184 = tpu.vector_load %arg10[%swap3A_182, %swap3A_183] {strides = array<i32>} : memref<32x256xf32, #tpu.memory_space<vmem>>, vector<16xf32>,
      tpu.vector_store %arg10[%swap3A_182, %swap3A_183], %select_n3A_181 {strides = array<i32>} : memref<32x256xf32, #tpu.memory_space<vmem>>, vector<16xf32>,
      %get3A_185 = arith.index_cast %scan3A_154 : i32 to index
      %get3A_186 = arith.constant 64 : index
      %get3A_187 = tpu.vector_load %arg10[%get3A_185, %get3A_186] {strides = array<i32>} : memref<32x256xf32, #tpu.memory_space<vmem>>, vector<16xf32>,
      %eq3A_188 = arith.cmpf oeq, %get3A_187, %broadcast_in_dim3A_121 : vector<16xf32>
      %select_n3A_189 = arith.select %eq3A_188, %broadcast_in_dim3A_146, %get3A_187 : vector<16xi1>, vector<16xf32>
      %swap3A_190 = arith.index_cast %scan3A_154 : i32 to index
      %swap3A_191 = arith.constant 64 : index
      %swap3A_192 = tpu.vector_load %arg10[%swap3A_190, %swap3A_191] {strides = array<i32>} : memref<32x256xf32, #tpu.memory_space<vmem>>, vector<16xf32>,
      tpu.vector_store %arg10[%swap3A_190, %swap3A_191], %select_n3A_189 {strides = array<i32>} : memref<32x256xf32, #tpu.memory_space<vmem>>, vector<16xf32>,
      %get3A_193 = arith.index_cast %scan3A_154 : i32 to index
      %get3A_194 = arith.constant 80 : index
      %get3A_195 = tpu.vector_load %arg10[%get3A_193, %get3A_194] {strides = array<i32>} : memref<32x256xf32, #tpu.memory_space<vmem>>, vector<16xf32>,
      %eq3A_196 = arith.cmpf oeq, %get3A_195, %broadcast_in_dim3A_121 : vector<16xf32>
      %select_n3A_197 = arith.select %eq3A_196, %broadcast_in_dim3A_146, %get3A_195 : vector<16xi1>, vector<16xf32>
      %swap3A_198 = arith.index_cast %scan3A_154 : i32 to index
      %swap3A_199 = arith.constant 80 : index
      %swap3A_200 = tpu.vector_load %arg10[%swap3A_198, %swap3A_199] {strides = array<i32>} : memref<32x256xf32, #tpu.memory_space<vmem>>, vector<16xf32>,
      tpu.vector_store %arg10[%swap3A_198, %swap3A_199], %select_n3A_197 {strides = array<i32>} : memref<32x256xf32, #tpu.memory_space<vmem>>, vector<16xf32>,
      %get3A_201 = arith.index_cast %scan3A_154 : i32 to index
      %get3A_202 = arith.constant 96 : index
      %get3A_203 = tpu.vector_load %arg10[%get3A_201, %get3A_202] {strides = array<i32>} : memref<32x256xf32, #tpu.memory_space<vmem>>, vector<16xf32>,
      %eq3A_204 = arith.cmpf oeq, %get3A_203, %broadcast_in_dim3A_121 : vector<16xf32>
      %select_n3A_205 = arith.select %eq3A_204, %broadcast_in_dim3A_146, %get3A_203 : vector<16xi1>, vector<16xf32>
      %swap3A_206 = arith.index_cast %scan3A_154 : i32 to index
      %swap3A_207 = arith.constant 96 : index
      %swap3A_208 = tpu.vector_load %arg10[%swap3A_206, %swap3A_207] {strides = array<i32>} : memref<32x256xf32, #tpu.memory_space<vmem>>, vector<16xf32>,
      tpu.vector_store %arg10[%swap3A_206, %swap3A_207], %select_n3A_205 {strides = array<i32>} : memref<32x256xf32, #tpu.memory_space<vmem>>, vector<16xf32>,
      %get3A_209 = arith.index_cast %scan3A_154 : i32 to index
      %get3A_210 = arith.constant 112 : index
      %get3A_211 = tpu.vector_load %arg10[%get3A_209, %get3A_210] {strides = array<i32>} : memref<32x256xf32, #tpu.memory_space<vmem>>, vector<16xf32>,
      %eq3A_212 = arith.cmpf oeq, %get3A_211, %broadcast_in_dim3A_121 : vector<16xf32>
      %select_n3A_213 = arith.select %eq3A_212, %broadcast_in_dim3A_146, %get3A_211 : vector<16xi1>, vector<16xf32>
      %swap3A_214 = arith.index_cast %scan3A_154 : i32 to index
      %swap3A_215 = arith.constant 112 : index
      %swap3A_216 = tpu.vector_load %arg10[%swap3A_214, %swap3A_215] {strides = array<i32>} : memref<32x256xf32, #tpu.memory_space<vmem>>, vector<16xf32>,
      tpu.vector_store %arg10[%swap3A_214, %swap3A_215], %select_n3A_213 {strides = array<i32>} : memref<32x256xf32, #tpu.memory_space<vmem>>, vector<16xf32>,
      %get3A_217 = arith.index_cast %scan3A_154 : i32 to index
      %get3A_218 = arith.constant 128 : index
      %get3A_219 = tpu.vector_load %arg10[%get3A_217, %get3A_218] {strides = array<i32>} : memref<32x256xf32, #tpu.memory_space<vmem>>, vector<16xf32>,
      %eq3A_220 = arith.cmpf oeq, %get3A_219, %broadcast_in_dim3A_121 : vector<16xf32>
      %select_n3A_221 = arith.select %eq3A_220, %broadcast_in_dim3A_146, %get3A_219 : vector<16xi1>, vector<16xf32>
      %swap3A_222 = arith.index_cast %scan3A_154 : i32 to index
      %swap3A_223 = arith.constant 128 : index
      %swap3A_224 = tpu.vector_load %arg10[%swap3A_222, %swap3A_223] {strides = array<i32>} : memref<32x256xf32, #tpu.memory_space<vmem>>, vector<16xf32>,
      tpu.vector_store %arg10[%swap3A_222, %swap3A_223], %select_n3A_221 {strides = array<i32>} : memref<32x256xf32, #tpu.memory_space<vmem>>, vector<16xf32>,
      %get3A_225 = arith.index_cast %scan3A_154 : i32 to index
      %get3A_226 = arith.constant 144 : index
      %get3A_227 = tpu.vector_load %arg10[%get3A_225, %get3A_226] {strides = array<i32>} : memref<32x256xf32, #tpu.memory_space<vmem>>, vector<16xf32>,
      %eq3A_228 = arith.cmpf oeq, %get3A_227, %broadcast_in_dim3A_121 : vector<16xf32>
      %select_n3A_229 = arith.select %eq3A_228, %broadcast_in_dim3A_146, %get3A_227 : vector<16xi1>, vector<16xf32>
      %swap3A_230 = arith.index_cast %scan3A_154 : i32 to index
      %swap3A_231 = arith.constant 144 : index
      %swap3A_232 = tpu.vector_load %arg10[%swap3A_230, %swap3A_231] {strides = array<i32>} : memref<32x256xf32, #tpu.memory_space<vmem>>, vector<16xf32>,
      tpu.vector_store %arg10[%swap3A_230, %swap3A_231], %select_n3A_229 {strides = array<i32>} : memref<32x256xf32, #tpu.memory_space<vmem>>, vector<16xf32>,
      %get3A_233 = arith.index_cast %scan3A_154 : i32 to index
      %get3A_234 = arith.constant 160 : index
      %get3A_235 = tpu.vector_load %arg10[%get3A_233, %get3A_234] {strides = array<i32>} : memref<32x256xf32, #tpu.memory_space<vmem>>, vector<16xf32>,
      %eq3A_236 = arith.cmpf oeq, %get3A_235, %broadcast_in_dim3A_121 : vector<16xf32>
      %select_n3A_237 = arith.select %eq3A_236, %broadcast_in_dim3A_146, %get3A_235 : vector<16xi1>, vector<16xf32>
      %swap3A_238 = arith.index_cast %scan3A_154 : i32 to index
      %swap3A_239 = arith.constant 160 : index
      %swap3A_240 = tpu.vector_load %arg10[%swap3A_238, %swap3A_239] {strides = array<i32>} : memref<32x256xf32, #tpu.memory_space<vmem>>, vector<16xf32>,
      tpu.vector_store %arg10[%swap3A_238, %swap3A_239], %select_n3A_237 {strides = array<i32>} : memref<32x256xf32, #tpu.memory_space<vmem>>, vector<16xf32>,
      %get3A_241 = arith.index_cast %scan3A_154 : i32 to index
      %get3A_242 = arith.constant 176 : index
      %get3A_243 = tpu.vector_load %arg10[%get3A_241, %get3A_242] {strides = array<i32>} : memref<32x256xf32, #tpu.memory_space<vmem>>, vector<16xf32>,
      %eq3A_244 = arith.cmpf oeq, %get3A_243, %broadcast_in_dim3A_121 : vector<16xf32>
      %select_n3A_245 = arith.select %eq3A_244, %broadcast_in_dim3A_146, %get3A_243 : vector<16xi1>, vector<16xf32>
      %swap3A_246 = arith.index_cast %scan3A_154 : i32 to index
      %swap3A_247 = arith.constant 176 : index
      %swap3A_248 = tpu.vector_load %arg10[%swap3A_246, %swap3A_247] {strides = array<i32>} : memref<32x256xf32, #tpu.memory_space<vmem>>, vector<16xf32>,
      tpu.vector_store %arg10[%swap3A_246, %swap3A_247], %select_n3A_245 {strides = array<i32>} : memref<32x256xf32, #tpu.memory_space<vmem>>, vector<16xf32>,
      %get3A_249 = arith.index_cast %scan3A_154 : i32 to index
      %get3A_250 = arith.constant 192 : index
      %get3A_251 = tpu.vector_load %arg10[%get3A_249, %get3A_250] {strides = array<i32>} : memref<32x256xf32, #tpu.memory_space<vmem>>, vector<16xf32>,
      %eq3A_252 = arith.cmpf oeq, %get3A_251, %broadcast_in_dim3A_121 : vector<16xf32>
      %select_n3A_253 = arith.select %eq3A_252, %broadcast_in_dim3A_146, %get3A_251 : vector<16xi1>, vector<16xf32>
      %swap3A_254 = arith.index_cast %scan3A_154 : i32 to index
      %swap3A_255 = arith.constant 192 : index
      %swap3A_256 = tpu.vector_load %arg10[%swap3A_254, %swap3A_255] {strides = array<i32>} : memref<32x256xf32, #tpu.memory_space<vmem>>, vector<16xf32>,
      tpu.vector_store %arg10[%swap3A_254, %swap3A_255], %select_n3A_253 {strides = array<i32>} : memref<32x256xf32, #tpu.memory_space<vmem>>, vector<16xf32>,
      %get3A_257 = arith.index_cast %scan3A_154 : i32 to index
      %get3A_258 = arith.constant 208 : index
      %get3A_259 = tpu.vector_load %arg10[%get3A_257, %get3A_258] {strides = array<i32>} : memref<32x256xf32, #tpu.memory_space<vmem>>, vector<16xf32>,
      %eq3A_260 = arith.cmpf oeq, %get3A_259, %broadcast_in_dim3A_121 : vector<16xf32>
      %select_n3A_261 = arith.select %eq3A_260, %broadcast_in_dim3A_146, %get3A_259 : vector<16xi1>, vector<16xf32>
      %swap3A_262 = arith.index_cast %scan3A_154 : i32 to index
      %swap3A_263 = arith.constant 208 : index
      %swap3A_264 = tpu.vector_load %arg10[%swap3A_262, %swap3A_263] {strides = array<i32>} : memref<32x256xf32, #tpu.memory_space<vmem>>, vector<16xf32>,
      tpu.vector_store %arg10[%swap3A_262, %swap3A_263], %select_n3A_261 {strides = array<i32>} : memref<32x256xf32, #tpu.memory_space<vmem>>, vector<16xf32>,
      %get3A_265 = arith.index_cast %scan3A_154 : i32 to index
      %get3A_266 = arith.constant 224 : index
      %get3A_267 = tpu.vector_load %arg10[%get3A_265, %get3A_266] {strides = array<i32>} : memref<32x256xf32, #tpu.memory_space<vmem>>, vector<16xf32>,
      %eq3A_268 = arith.cmpf oeq, %get3A_267, %broadcast_in_dim3A_121 : vector<16xf32>
      %select_n3A_269 = arith.select %eq3A_268, %broadcast_in_dim3A_146, %get3A_267 : vector<16xi1>, vector<16xf32>
      %swap3A_270 = arith.index_cast %scan3A_154 : i32 to index
      %swap3A_271 = arith.constant 224 : index
      %swap3A_272 = tpu.vector_load %arg10[%swap3A_270, %swap3A_271] {strides = array<i32>} : memref<32x256xf32, #tpu.memory_space<vmem>>, vector<16xf32>,
      tpu.vector_store %arg10[%swap3A_270, %swap3A_271], %select_n3A_269 {strides = array<i32>} : memref<32x256xf32, #tpu.memory_space<vmem>>, vector<16xf32>,
      %get3A_273 = arith.index_cast %scan3A_154 : i32 to index
      %get3A_274 = arith.constant 240 : index
      %get3A_275 = tpu.vector_load %arg10[%get3A_273, %get3A_274] {strides = array<i32>} : memref<32x256xf32, #tpu.memory_space<vmem>>, vector<16xf32>,
      %eq3A_276 = arith.cmpf oeq, %get3A_275, %broadcast_in_dim3A_121 : vector<16xf32>
      %select_n3A_277 = arith.select %eq3A_276, %broadcast_in_dim3A_146, %get3A_275 : vector<16xi1>, vector<16xf32>
      %swap3A_278 = arith.index_cast %scan3A_154 : i32 to index
      %swap3A_279 = arith.constant 240 : index
      %swap3A_280 = tpu.vector_load %arg10[%swap3A_278, %swap3A_279] {strides = array<i32>} : memref<32x256xf32, #tpu.memory_space<vmem>>, vector<16xf32>,
      tpu.vector_store %arg10[%swap3A_278, %swap3A_279], %select_n3A_277 {strides = array<i32>} : memref<32x256xf32, #tpu.memory_space<vmem>>, vector<16xf32>,
      %scan3A_281 = arith.constant 0 : i32
      scf.yield %scan3A_281 : i32
    }
    %scan3A_153 = arith.constant 32 : i32
    "tpu.region"() ({
      %run_scoped3A = tpu.sem_alloc : memref<!tpu.dma_semaphore, #tpu.memory_space<semaphore_mem>>
      %dma_start3A_154 = arith.constant 0 : i32
      %dma_start3A_155 = tpu.memref_slice %arg5[%mul3A_2, %dma_start3A_154] : memref<512x256xf32, #tpu.memory_space<hbm>> -> memref<32x256xf32, #tpu.memory_space<hbm>>
      %dma_start3A_156 = arith.constant 0 : i32
      %dma_start3A_157 = tpu.memref_slice %arg5[%mul3A_2, %dma_start3A_156] : memref<512x256xf32, #tpu.memory_space<hbm>> -> memref<32x256xf32, #tpu.memory_space<hbm>>
      tpu.enqueue_dma source(%arg10 : memref<32x256xf32, #tpu.memory_space<vmem>>) target(%dma_start3A_157 : memref<32x256xf32, #tpu.memory_space<hbm>>) target_semaphore(%run_scoped3A : memref<!tpu.dma_semaphore, #tpu.memory_space<semaphore_mem>>)
      %dma_wait3A_158 = arith.constant 0 : i32
      %dma_wait3A_159 = tpu.memref_slice %arg5[%mul3A_2, %dma_wait3A_158] : memref<512x256xf32, #tpu.memory_space<hbm>> -> memref<32x256xf32, #tpu.memory_space<hbm>>
      %dma_wait3A_160 = arith.constant 0 : i32
      %dma_wait3A_161 = tpu.memref_slice %arg5[%mul3A_2, %dma_wait3A_160] : memref<512x256xf32, #tpu.memory_space<hbm>> -> memref<32x256xf32, #tpu.memory_space<hbm>>
      tpu.wait_dma2 semaphore(%run_scoped3A : memref<!tpu.dma_semaphore, #tpu.memory_space<semaphore_mem>>) src(%arg10 : memref<32x256xf32, #tpu.memory_space<vmem>>) dst(%dma_wait3A_161 : memref<32x256xf32, #tpu.memory_space<hbm>>)
      tpu.yield
    }) : () -> ()
    return
  }
}

module attributes {stable_mosaic.version = 14 : i64} {
  func.func @_mm_body(%arg0: memref<512x256xf32, #tpu.memory_space<vmem>>, %arg1: memref<256x256xf32, #tpu.memory_space<vmem>>, %arg2: memref<1x256xf32, #tpu.memory_space<vmem>>, %arg3: memref<512x256xf32, #tpu.memory_space<vmem>>) attributes {dimension_semantics = [], scalar_prefetch = 0 : i64, scratch_operands = 0 : i64, tpu.core_type = #tpu.core_type<tc>} {
    %get3A = arith.constant 0 : index
    %get3A_0 = arith.constant 0 : index
    %get3A_1 = vector.load %arg0[%get3A, %get3A_0] : memref<512x256xf32, #tpu.memory_space<vmem>>, vector<512x256xf32>
    %get3A_2 = arith.constant 0 : index
    %get3A_3 = arith.constant 0 : index
    %get3A_4 = vector.load %arg1[%get3A_2, %get3A_3] : memref<256x256xf32, #tpu.memory_space<vmem>>, vector<256x256xf32>
    %dot_general3A = arith.constant dense<0.000000e+00> : vector<512x256xf32>
    %dot_general3A_5 = tpu.matmul %get3A_1, %get3A_4, %dot_general3A {dimension_numbers = #tpu.dot_dimension_numbers<[1], [1], [0], [0], [0, 0, 1, 0], [], []>, transpose_lhs_hint = false} : vector<512x256xf32>, vector<256x256xf32>, vector<512x256xf32> -> vector<512x256xf32>
    %get3A_6 = arith.constant 0 : index
    %get3A_7 = arith.constant 0 : index
    %get3A_8 = vector.load %arg2[%get3A_6, %get3A_7] : memref<1x256xf32, #tpu.memory_space<vmem>>, vector<1x256xf32>
    %add3A = vector.broadcast %get3A_8 : vector<1x256xf32> to vector<512x256xf32>
    %add3A_9 = arith.addf %dot_general3A_5, %add3A : vector<512x256xf32>
    %swap3A = arith.constant 0 : index
    %swap3A_10 = arith.constant 0 : index
    %swap3A_11 = vector.load %arg3[%swap3A, %swap3A_10] : memref<512x256xf32, #tpu.memory_space<vmem>>, vector<512x256xf32>
    tpu.vector_store %arg3[%swap3A, %swap3A_10], %add3A_9 {strides = array<i32>} : memref<512x256xf32, #tpu.memory_space<vmem>>, vector<512x256xf32>,
    return
  }
}

</mosaic_0001>

<sc_bundles>
// kernel: kernel.4.cloned.1.call-start
scs
__scs_entry_jumppad:
0x0: {  	(pc) =	sbr.rel $0x88, $3  }
0x1: {  	(tag) =	ssettag $0x0;
	lr =	simm.s32 $0x1  }
0x2: {  	[smem:$0x3F9C] =	sst lr;
	_ =	strace $0xD0000000  }
0x3: {  	_ = 	snop  }
0x4: {  	_ = 	snop  }
0x5: {  	_ = 	snop  }
0x6: {  	_ = 	snop  }
0x7: {  	_ = 	snop  }
__scs_overlays_trampoline_lowered:
0x8: {  	[smem:$0x3FAB] =	sst s0  }
0x9: {  	[smem:$0x3FAC] =	sst s1  }
0xa: {  	[smem:$0x3FAD] =	sst s2  }
0xb: {  	[smem:$0x3FAE] =	sst s3  }
0xc: {  	[smem:$0x3FAF] =	sst s4  }
0xd: {  	[smem:$0x3FB0] =	sst s5  }
0xe: {  	[smem:$0x3FB1] =	sst s6  }
0xf: {  	[smem:$0x3FB2] =	sst s7  }
0x10: {  	[smem:$0x3FB3] =	sst s8  }
0x11: {  	[smem:$0x3FB4] =	sst s9;
	s0 =	simm.s32 @!p0 $0x0  }
0x12: {  	s1 =	sld [smem:$0x3F9A];
	s0 =	simm.s32 @p0 $0x1  }
0x13: {  	[smem:$0x3FB5] =	sst s0;
	s0 =	simm.s32 @!p1 $0x0  }
0x14: {  	s2 =	sld [smem:$0x3F99];
	s0 =	simm.s32 @p1 $0x1  }
0x15: {  	[smem:$0x3FB6] =	sst s0;
	s0 =	simm.s32 @!p2 $0x0  }
0x16: {  	s3 =	sld [smem:$0x3FDB];
	s0 =	simm.s32 @p2 $0x1  }
0x17: {  	s4 =	simm.s32 $0x1BF5;
	[smem:$0x3FB8] =	sst s0  }
0x18: {  	s0 =	sld [smem:$0x3F9B];
	_ =	swait.ge [sflag:s4], $0x0  }
0x19: {  	s7 =	sld [smem:$0x3F9C]  }
0x1a: {  	s8 =	sadd.s32 $0xFFFFE003, lr  }
0x1b: {  	s9 =	sadd.s32 $0xFFFFFEF7, lr;
	s5 =	simm.s32 $0xFFFFFFFF;
	p2 =	slt.u32 s8, $0xFFFFF086  }
0x1c: {  	p1 =	slt.u32 s9, $0xF7A;
	s5 =	simm.s32 @!p2 $0x0  }
0x1d: {  	s5 =	simm.s32 @p1 $0x1;
	p0 =	seq.s32 s7, s2  }
0x1e: {  	s7 =	smul.u32 @!p0 $0xF7A, s2;
	p2 =	seq.s32 @!p0 s5, $0x0  }
0x1f: {  	s9 =	smul.u32 $0xF7A, s1;
	s8 =	simm.s32 @!p0 $0x1BF5;
	p2 =	por !p2, p0  }
0x20: {  	[sflag:s8] =	ssyncset.s32 @!p0 $0xFFFFF086;
	s6 =	sadd.s32 @!p0 s3, s7;
	s7 =	simm.s32 @!p0 $0x108  }
0x21: {  	s3 =	sadd.s32 s3, s9;
	s6 =	sadd.s32 @!p0 $0x88, s6;
	s7 =	simm.s32 @p2 $0x1082  }
0x22: {  	[simem:s7], [sflag:s8] =	dma.local @!p0 [hbm:s6], $0xF7A  }
0x23: {  	s9 =	sor.u32 $0xD0000000, s2;
	s6 =	simm.s32 $0x108;
	_ =	swait.ge @!p0 [sflag:s8], $0x0  }
0x24: {  	s3 =	sadd.s32 $0x88, s3;
	s6 =	simm.s32 @!p1 $0x1082;
	[sflag:s4] =	ssyncset.s32 $0xFFFFF086  }
0x25: {  	[simem:s6], [sflag:s4] =	dma.local [hbm:s3], $0xF7A  }
0x26: {  	[smem:$0x3F9C] =	sst s1;
	(tag) =	ssettag s2;
	_ =	strace s9  }
0x27: {  	s1 =	sld [smem:$0x3FAC]  }
0x28: {  	s2 =	sld [smem:$0x3FAD]  }
0x29: {  	s4 =	sld [smem:$0x3FAF]  }
0x2a: {  	p0 =	seq.s32 s5, $0x0;
	s5 =	sld [smem:$0x3FB0]  }
0x2b: {  	s6 =	sld [smem:$0x3FB1]  }
0x2c: {  	s7 =	sld [smem:$0x3FB2]  }
0x2d: {  	s3 =	simm.s32 $0x108;
	s8 =	sld [smem:$0x3FB3]  }
0x2e: {  	s3 =	simm.s32 @!p0 $0x1082;
	s9 =	sld [smem:$0x3FB4]  }
0x2f: {  	lr =	sadd.s32 s0, s3;
	s0 =	sld [smem:$0x3FAB]  }
0x30: {  	s3 =	sld [smem:$0x3FAE]  }
0x31: {  	[smem:$0x3FB7] =	sst s10  }
0x32: {  	s10 =	sld [smem:$0x3FB5];
	_ =	sdelay $0x3  }
0x33: {  	p0 =	seq.s32 s10, $0x1;
	s10 =	sld [smem:$0x3FB7];
	_ =	sdelay $0x3  }
0x34: {  	[smem:$0x3FB7] =	sst s10  }
0x35: {  	s10 =	sld [smem:$0x3FB6];
	_ =	sdelay $0x3  }
0x36: {  	p1 =	seq.s32 s10, $0x1;
	s10 =	sld [smem:$0x3FB7];
	_ =	sdelay $0x3  }
0x37: {  	[smem:$0x3FB7] =	sst s10  }
0x38: {  	s10 =	sld [smem:$0x3FB8]  }
0x39: {  	_ = 	snop;
	(pc) =	sbr.ind lr, $3  }
0x3a: {  	_ = 	snop  }
0x3b: {  	_ = 	snop  }
0x3c: {  	p2 =	seq.s32 s10, $0x1;
	s10 =	sld [smem:$0x3FB7]  }
0x3d: {  	_ =	shalt  }
0x3e: {  	_ =	shalt  }
0x3f: {  	_ =	shalt  }
0x40: {  	_ =	shalt  }
0x41: {  	_ =	shalt  }
0x42: {  	_ =	shalt  }
0x43: {  	_ =	shalt  }
0x44: {  	_ =	shalt  }
0x45: {  	_ =	shalt  }
0x46: {  	_ =	shalt  }
0x47: {  	_ =	shalt  }
0x48: {  	_ =	shalt  }
0x49: {  	_ =	shalt  }
0x4a: {  	_ =	shalt  }
0x4b: {  	_ =	shalt  }
0x4c: {  	_ =	shalt  }
0x4d: {  	_ =	shalt  }
0x4e: {  	_ =	shalt  }
0x4f: {  	_ =	shalt  }
0x50: {  	_ =	shalt  }
0x51: {  	_ =	shalt  }
0x52: {  	_ =	shalt  }
0x53: {  	_ =	shalt  }
0x54: {  	_ =	shalt  }
0x55: {  	_ =	shalt  }
0x56: {  	_ =	shalt  }
0x57: {  	_ =	shalt  }
0x58: {  	_ =	shalt  }
0x59: {  	_ =	shalt  }
0x5a: {  	_ =	shalt  }
0x5b: {  	_ =	shalt  }
0x5c: {  	_ =	shalt  }
0x5d: {  	_ =	shalt  }
0x5e: {  	_ =	shalt  }
0x5f: {  	_ =	shalt  }
0x60: {  	_ =	shalt  }
0x61: {  	_ =	shalt  }
0x62: {  	_ =	shalt  }
0x63: {  	_ =	shalt  }
0x64: {  	_ =	shalt  }
0x65: {  	_ =	shalt  }
0x66: {  	_ =	shalt  }
0x67: {  	_ =	shalt  }
0x68: {  	_ =	shalt  }
0x69: {  	_ =	shalt  }
0x6a: {  	_ =	shalt  }
0x6b: {  	_ =	shalt  }
0x6c: {  	_ =	shalt  }
0x6d: {  	_ =	shalt  }
0x6e: {  	_ =	shalt  }
0x6f: {  	_ =	shalt  }
0x70: {  	_ =	shalt  }
0x71: {  	_ =	shalt  }
0x72: {  	_ =	shalt  }
0x73: {  	_ =	shalt  }
0x74: {  	_ =	shalt  }
0x75: {  	_ =	shalt  }
0x76: {  	_ =	shalt  }
0x77: {  	_ =	shalt  }
0x78: {  	_ =	shalt  }
0x79: {  	_ =	shalt  }
0x7a: {  	_ =	shalt  }
0x7b: {  	_ =	shalt  }
0x7c: {  	_ =	shalt  }
0x7d: {  	_ =	shalt  }
0x7e: {  	_ =	shalt  }
0x7f: {  	_ =	shalt  }
0x80: {  	_ =	shalt  }
0x81: {  	_ =	shalt  }
0x82: {  	_ =	shalt  }
0x83: {  	_ =	shalt  }
0x84: {  	_ =	shalt  }
0x85: {  	_ =	shalt  }
0x86: {  	_ =	shalt  }
0x87: {  	_ =	shalt  }
.Lfunc_end0:
.L_simem_size_0:
called_computation_lowered:
.L_overlay_start_0:
0x88: {  	s0 =	sld [smem:$0x3FD9]  }
0x89: {  	s1 =	sld [smem:$0x3FFE];
	_ =	sdelay $0x3  }
0x8a: {  	s0 =	sadd.s32 s1, s0  }
0x8b: {  	[smem:$0x3FC3] =	sst s0  }
0x8c: {  	_ = 	snop  }
0x8d: {  	s0 =	sld [smem:$0x3FC9]  }
0x8e: {  	s17 =	sld [smem:$0x3FC8]  }
0x8f: {  	s2 =	sld [smem:$0x3FC7]  }
0x90: {  	s3 =	sld [smem:$0x3FD0];
	(tm) =	ssettm $0x1  }
0x91: {  	s4 =	sld [smem:$0x3FFB];
	_ =	sdelay $0x3  }
0x92: {  	_ =	strace s4  }
0x93: {  	s4 =	sld [smem:$0x3FFC];
	_ =	sdelay $0x3  }
0x94: {  	_ =	strace s4  }
0x95: {  	s4 =	sld [smem:$0x3FFD];
	_ =	sdelay $0x3  }
0x96: {  	_ =	strace s4  }
0x97: {  	_ =	strace $0x8FFFFFFF  }
0x98: {  	s18 =	sld [smem:$0x3FDB];
	_ =	sdelay $0x1  }
0x99: {  	s5 =	simm.s32 $_scs_section_size  }
0x9a: {  	s6 =	simm.s32 $_size__tile_overlayer_lowered;
	s7 =	simm.s32 $_tile_overlayer_lowered  }
0x9b: {  	s21 =	simm.s32 $0x1BFF;
	s20 =	sshll.u32 s7, $0x1;
	s4 =	sadd.s32 s5, s18  }
0x9c: {  	s8 =	simm.s32 $0x0;
	s19 =	sshll.u32 s6, $0x1;
	s6 =	sadd.s32 s20, s4  }
0x9d: {  	[timem:s8], [sflag:s21] =	dma.local [hbm:s6], s19  }
0x9e: {  	_ =	swait.ge [sflag:s21], s19  }
0x9f: {  	s5 =	ssub.s32 $0x0, s19;
	[sflag:s21] =	ssyncset.done $0x0  }
0xa0: {  	[sflag:s21] =	ssyncadd.s32 s5;
	_ =	sdelay $0x1  }
0xa1: {  	s22 =	simm.s32 $0x1B8B  }
0xa2: {  	_ =	swait.ge [sflag:s22], $0x1  }
0xa3: {  	[sflag:s22] =	ssyncset.done $0x0  }
0xa4: {  	s23 =	simm.s32 $0x1B8E;
	[sflag:s22] =	ssyncadd.s32 $0xFFFFFFFF  }
0xa5: {  	s24 =	simm.s32 $execute0_lowered;
	[smem:$0x3FD2] =	sst s23  }
0xa6: {  	s5 =	sshll.u32 s24, $0x1;
	_ =	strace $0x80000046;
	[dreg:$0x1] =	wrdreg $0xFFFFFFFF  }
0xa7: {  	s25 =	simm.s32 $_size_execute0_lowered;
	s4 =	sadd.s32 s4, s5;
	[dreg:$0x0] =	wrdreg $0x0  }
0xa8: {  	s5 =	sshll.u32 s25, $0x1;
	[dreg:$0x2] =	wrdreg s4  }
0xa9: {  	[dreg:$0x3] =	wrdreg s5  }
0xaa: {  	[dreg:$0x4] =	wrdreg $0xC0  }
0xab: {  	_ =	task [dreg:s8], $0x5FFFF  }
0xac: {  	[dreg:$0x1] =	wrdreg $0xFFFFFFFF  }
0xad: {  	[dreg:$0x0] =	wrdreg $0x60  }
0xae: {  	[dreg:$0x2] =	wrdreg s17  }
0xaf: {  	[dreg:$0x3] =	wrdreg s2  }
0xb0: {  	[dreg:$0x4] =	wrdreg s0  }
0xb1: {  	[dreg:$0x5] =	wrdreg s3  }
0xb2: {  	[dreg:$0x6] =	wrdreg $0x110000  }
0xb3: {  	[dreg:$0x7] =	wrdreg $0x9  }
0xb4: {  	_ =	task.clear_ibuf [dreg:s8], $0x8FFFF;
	_ =	strace $0x90000046  }
0xb5: {  	s26 =	simm.s32 $0x9;
	_ =	strace $0x80000048  }
0xb6: {  	_ =	swait.ge [sflag:s26], $0x1  }
0xb7: {  	[sflag:s26] =	ssyncadd.s32 $0xFFFFFFFF  }
0xb8: {  	_ =	strace $0x90000048  }
0xb9: {  	_ =	sfence  }
0xba: {  	s28 =	sld [smem:$0x0];
	_ =	sdelay $0x1  }
0xbb: {  	s29 =	srdreg.scid  }
0xbc: {  	s30 =	sshll.u32 s29, $0xD;
	s31 =	sshrl.u32 s29, $0x2  }
0xbd: {  	s1 =	sand.u32 $0x1, s29;
	s2 =	sand.u32 $0x4000, s30;
	s0 =	sadd.s32 s31, s28  }
0xbe: {  	s1 =	sor.u32 s2, s1;
	s0 =	sshll.u32 s0, $0x11  }
0xbf: {  	s0 =	sor.u32 s0, s1  }
0xc0: {  	s0 =	sadd.s32 $0x8F2B, s0  }
0xc1: {  	[sflag:s0] =	ssyncadd.remote.s32 $0x1  }
0xc2: {  	_ =	sfence.sel $0xFFFF  }
0xc3: {  	[dreg:$0x0] =	wrdreg $0xFFFFFFFF;
	(pc) =	sbr.abs _section_cstart, $3  }
0xc4: {  	[dreg:$0x1] =	wrdreg $0xFFFFFFFF  }
0xc5: {  	_ =	task.clear_ibuf [dreg:s8], $0x2FFFF;
	_ =	strace $0x9FFFFFFF  }
0xc6: {  	(tm) =	ssettm $0x7FFFFFFF  }
0xc7: {  	_ =	shalt  }
tec
execute0_lowered:
.L_overlay_start_1:
0x0: {  	(tag) =	ssettag $0x1  }
0x1: {  	s3 =	rddreg [dreg:$0x0]  }
0x2: {  	s4 =	rddreg [dreg:$0x1]  }
0x3: {  	s2 =	rddreg [dreg:$0x2];
	s0 =	stileid.u32  }
0x4: {  	s6 =	rddreg [dreg:$0x3];
	s5 =	smul.u32 $0x4F, s0  }
0x5: {  	s7 =	rddreg [dreg:$0x4]  }
0x6: {  	s1 =	rddreg [dreg:$0x5];
	s8 =	simm.s32 $0x0;
	s5 =	smin.u32 s5, $0x493  }
0x7: {  	[smem:$0x7FF] =	sst s8;
	s5 =	sshll.u32 s5, $0x5  }
0x8: {  	s30 =	simm.s32 $0x2800;
	_ =	strace $0x80000047;
	s3 =	sadd.s32 s3, s5  }
0x9: {  	[tilespmem:s30], [sflag:$0x1] =	stream.linear.gather [hbm4b:s3+s8], $0x4F00, $0x38;
	[tilespmem:$0x13800] =	vst v63  }
0xa: {  	s31 =	simm.s32 $0x7700  }
0xb: {  	[tilespmem:s31], [sflag:$0x2] =	stream.linear.gather [hbm4b:s4+s8], $0x2710, $0x38;
	[tilespmem:$0x13800] =	vst v63  }
0xc: {  	v0 =	vimm.s32 $0x0;
	s3 =	simm.s32 $0x0;
	s4 =	simm.s32 $0x200  }
.LBB2_1:
0xd: {  	p0 =	sne.s32 s4, $0x9E00;
	[tilespmem:s3+$0x70] =	vst v0  }
0xe: {  	[tilespmem:s3+$0x0] =	vst v0  }
0xf: {  	[tilespmem:s3+$0x10] =	vst v0  }
.Ltmp0:
0x10: {  	[tilespmem:s3+$0x20] =	vst v0;
	(pc) =	sbr.rel @p0 .LBB2_1-.Ltmp0, $4  }
0x11: {  	[tilespmem:s3+$0x30] =	vst v0  }
0x12: {  	[tilespmem:s3+$0x40] =	vst v0  }
0x13: {  	[tilespmem:s3+$0x50] =	vst v0  }
0x14: {  	[tilespmem:s3+$0x60] =	vst v0;
	s3 =	sshra.s32 s4, $0x2;
	s4 =	sadd.s32 $0x200, s4  }
0x15: {  	[tilespmem:s3+$0x70] =	vst v0  }
0x16: {  	[tilespmem:s3+$0x0] =	vst v0  }
0x17: {  	[tilespmem:s3+$0x10] =	vst v0  }
0x18: {  	[tilespmem:s3+$0x20] =	vst v0  }
0x19: {  	[tilespmem:s3+$0x30] =	vst v0  }
0x1a: {  	[tilespmem:s3+$0x40] =	vst v0  }
0x1b: {  	[tilespmem:s3+$0x50] =	vst v0  }
0x1c: {  	[tilespmem:s3+$0x60] =	vst v0;
	s31 =	simm.s32 $0x1  }
0x1d: {  	_ =	swait.ge [sflag:s31], $0x4F00  }
0x1e: {  	[sflag:s31] =	ssyncset.done $0x0  }
0x1f: {  	s3 =	simm.s32 $0x0;
	v0 =	vimm.s32 $0x1;
	s4 =	simm.s32 $0x0;
	[sflag:s31] =	ssyncadd.s32 $0xFFFFB100  }
.LBB2_3:
0x20: {  	s5 =	sshra.s32 s4, $0x2  }
0x21: {  	v1 =	vld [tilespmem:s5+$0x2880];
	_ =	sdelay $0x7  }
0x22: {  	[tilespmem:v1+s3+$0x0] =	vst.idx.msk $0xffff, v0  }
0x23: {  	v1 =	vld [tilespmem:s5+$0x2890];
	_ =	sdelay $0x7  }
0x24: {  	[tilespmem:v1+s3+$0x0] =	vst.idx.msk $0xffff, v0  }
0x25: {  	v1 =	vld [tilespmem:s5+$0x28A0];
	_ =	sdelay $0x7  }
0x26: {  	[tilespmem:v1+s3+$0x0] =	vst.idx.msk $0xffff, v0  }
0x27: {  	v1 =	vld [tilespmem:s5+$0x28B0];
	_ =	sdelay $0x7  }
0x28: {  	[tilespmem:v1+s3+$0x0] =	vst.idx.msk $0xffff, v0  }
0x29: {  	v1 =	vld [tilespmem:s5+$0x28C0];
	_ =	sdelay $0x7  }
0x2a: {  	[tilespmem:v1+s3+$0x0] =	vst.idx.msk $0xffff, v0  }
0x2b: {  	v1 =	vld [tilespmem:s5+$0x28D0];
	_ =	sdelay $0x7  }
0x2c: {  	[tilespmem:v1+s3+$0x0] =	vst.idx.msk $0xffff, v0  }
0x2d: {  	v1 =	vld [tilespmem:s5+$0x28E0];
	_ =	sdelay $0x7  }
0x2e: {  	[tilespmem:v1+s3+$0x0] =	vst.idx.msk $0xffff, v0  }
0x2f: {  	v1 =	vld [tilespmem:s5+$0x28F0];
	_ =	sdelay $0x2  }
0x30: {  	p0 =	sne.s32 s4, $0x13800  }
.Ltmp1:
0x31: {  	_ = 	snop;
	(pc) =	sbr.rel @p0 .LBB2_3-.Ltmp1, $2  }
0x32: {  	_ =	sdelay $0x2  }
0x33: {  	s4 =	sadd.s32 $0x400, s4;
	[tilespmem:v1+s3+$0x0] =	vst.idx.msk $0xffff, v0  }
0x34: {  	s3 =	sshrl.u32 s0, $0x3  }
0x35: {  	s3 =	smul.u32 $0x50000, s3;
	_ =	sdelay $0x1  }
0x36: {  	s4 =	sshll.u32 s0, $0x7;
	s5 =	simm.s32 $0x80;
	s3 =	sshrl.u32 s3, $0x2  }
0x37: {  	s8 =	simm.s32 $0x400;
	s4 =	sand.u32 $0x380, s4;
	s3 =	sadd.s32 s3, s7  }
0x38: {  	s31 =	simm.s32 $0x2;
	s4 =	sadd.s32 s4, s3;
	s3 =	simm.s32 $0x0  }
0x39: {  	[spmem:s4] =	stream.strided.scatter [tilespmem:s3], [sflag:$0x1], $0x2800, s8, s5, $0x38;
	[tilespmem:$0x13800] =	vst v63  }
0x3a: {  	s10 =	simm.s32 $0x2710;
	_ =	swait.ge [sflag:s31], $0x2710  }
0x3b: {  	s9 =	simm.s32 $0xD;
	s4 =	sshll.u32 s0, $0x5;
	[sflag:s31] =	ssyncset.done $0x0  }
0x3c: {  	s5 =	simm.s32 $0x2710;
	s8 =	simm.s32 $0x1;
	[sflag:s31] =	ssyncadd.s32 $0xFFFFD8F0  }
.LBB2_5:
0x3d: {  	p0 =	sne.s32 s9, $0x1;
	p1 =	slt.s32 s10, $0x1;
	s11 =	sand.u32 $0x1, s10  }
0x3e: {  	s12 =	sshrl.u32 s10, $0x1F;
	p2 =	seq.s32 s11, $0x1  }
0x3f: {  	s10 =	sadd.s32 s12, s10;
	p1 =	por !p1, !p2  }
0x40: {  	s11 =	simm.s32 $0x1;
	s10 =	sshra.s32 s10, $0x1;
	p1 =	por !p1, !p1  }
0x41: {  	s11 =	simm.s32 @!p1 $0x0  }
0x42: {  	s10 =	ssub.s32 s10, s11  }
0x43: {  	v0 =	vld [tilespmem:s10+$0x7700];
	s11 =	sadd.s32 $0x1, s10;
	_ =	sdelay $0x4  }
0x44: {  	(v2sf) =	vpush v0, $0x0;
	_ =	sdelay $0xe  }
.Ltmp2:
0x45: {  	s12 =	spop (v2sf);
	(pc) =	sbr.rel @p0 .LBB2_5-.Ltmp2, $4  }
0x46: {  	p1 =	slt.s32 s12, s4;
	s12 =	smov.u32 s3  }
0x47: {  	p2 =	slt.s32 s3, s5;
	s12 =	smov.u32 @p1 s11;
	s10 =	smov.u32 @p1 s5  }
0x48: {  	s3 =	smov.u32 @p2 s12;
	s5 =	smov.u32 @p2 s10  }
0x49: {  	s9 =	sadd.s32 $0xFFFFFFFF, s9;
	s10 =	sadd.s32 s3, s5  }
0x4a: {  	s9 =	sand.u32 $0x1, s10  }
0x4b: {  	p0 =	slt.s32 s10, $0x1;
	p1 =	seq.s32 s9, $0x1  }
0x4c: {  	s30 =	sshrl.u32 s10, $0x1F;
	p0 =	por !p0, !p1  }
0x4d: {  	s9 =	sadd.s32 s30, s10;
	p0 =	por !p0, !p0  }
0x4e: {  	s9 =	sshra.s32 s9, $0x1;
	s8 =	simm.s32 @!p0 $0x0  }
0x4f: {  	s8 =	ssub.s32 s9, s8  }
0x50: {  	v0 =	vld [tilespmem:s8+$0x7700];
	_ =	sdelay $0x4  }
0x51: {  	(v2sf) =	vpush v0, $0x0;
	_ =	sdelay $0xd  }
0x52: {  	s12 =	simm.s32 $0x2710  }
0x53: {  	s11 =	simm.s32 $0xD;
	s10 =	simm.s32 $0x1;
	s31 =	spop (v2sf)  }
0x54: {  	s9 =	smov.u32 s3;
	s8 =	sadd.s32 $0x1, s8;
	p0 =	slt.s32 s31, s4  }
0x55: {  	p1 =	slt.s32 s3, s5;
	s5 =	simm.s32 $0x0;
	s9 =	smov.u32 @p0 s8  }
0x56: {  	s8 =	sadd.s32 $0x20, s4;
	s3 =	smov.u32 @p1 s9;
	s9 =	simm.s32 $0x2710  }
.LBB2_7:
0x57: {  	p0 =	sne.s32 s11, $0x1;
	p1 =	slt.s32 s12, $0x1;
	s13 =	sand.u32 $0x1, s12  }
0x58: {  	s14 =	sshrl.u32 s12, $0x1F;
	p2 =	seq.s32 s13, $0x1  }
0x59: {  	s12 =	sadd.s32 s14, s12;
	p1 =	por !p1, !p2  }
0x5a: {  	s13 =	simm.s32 $0x1;
	s12 =	sshra.s32 s12, $0x1;
	p1 =	por !p1, !p1  }
0x5b: {  	s13 =	simm.s32 @!p1 $0x0  }
0x5c: {  	s12 =	ssub.s32 s12, s13  }
0x5d: {  	v0 =	vld [tilespmem:s12+$0x7700];
	s13 =	sadd.s32 $0x1, s12;
	_ =	sdelay $0x4  }
0x5e: {  	(v2sf) =	vpush v0, $0x0;
	_ =	sdelay $0xe  }
.Ltmp3:
0x5f: {  	s14 =	spop (v2sf);
	(pc) =	sbr.rel @p0 .LBB2_7-.Ltmp3, $4  }
0x60: {  	p1 =	slt.s32 s14, s8;
	s14 =	smov.u32 s5  }
0x61: {  	p2 =	slt.s32 s5, s9;
	s14 =	smov.u32 @p1 s13;
	s12 =	smov.u32 @p1 s9  }
0x62: {  	s5 =	smov.u32 @p2 s14;
	s9 =	smov.u32 @p2 s12  }
0x63: {  	s11 =	sadd.s32 $0xFFFFFFFF, s11;
	s12 =	sadd.s32 s5, s9  }
0x64: {  	s11 =	sand.u32 $0x1, s12  }
0x65: {  	p0 =	slt.s32 s12, $0x1;
	p1 =	seq.s32 s11, $0x1  }
0x66: {  	s22 =	sshrl.u32 s12, $0x1F;
	p0 =	por !p0, !p1  }
0x67: {  	s11 =	sadd.s32 s22, s12;
	p0 =	por !p0, !p0  }
0x68: {  	s11 =	sshra.s32 s11, $0x1;
	s10 =	simm.s32 @!p0 $0x0  }
0x69: {  	s10 =	ssub.s32 s11, s10  }
0x6a: {  	v0 =	vld [tilespmem:s10+$0x7700];
	_ =	sdelay $0x4  }
0x6b: {  	(v2sf) =	vpush v0, $0x0;
	_ =	sdelay $0xe  }
0x6c: {  	s23 =	spop (v2sf)  }
0x6d: {  	s10 =	sadd.s32 $0x1, s10;
	p0 =	slt.s32 s23, s8;
	s8 =	smov.u32 s5  }
0x6e: {  	p1 =	slt.s32 s5, s9;
	s8 =	smov.u32 @p0 s10  }
0x6f: {  	s24 =	smulhi.u32 $0x66666667, s3;
	s25 =	sshra.s32 s3, $0x1F;
	s5 =	smov.u32 @p1 s8  }
0x70: {  	s9 =	smul.u32 $0x66666667, s25;
	s26 =	sadd.s32 $0x27F, s5  }
0x71: {  	s28 =	smulhi.u32 $0x66666667, s26;
	s10 =	sshra.s32 s26, $0x1F  }
0x72: {  	s10 =	smul.u32 $0x66666667, s10  }
0x73: {  	s8 =	sadd.s32 s9, s24  }
0x74: {  	s9 =	sshrl.u32 s8, $0x1F;
	s8 =	sshra.s32 s8, $0x8;
	s10 =	sadd.s32 s10, s28  }
0x75: {  	s11 =	sadd.s32 s9, s8;
	s29 =	sshrl.u32 s10, $0x1F;
	s30 =	sshra.s32 s10, $0x8  }
0x76: {  	s31 =	smul.u32 $0xFFFFFD80, s11;
	s8 =	sadd.s32 s29, s30  }
0x77: {  	p4 =	slt.s32 s3, $0x1;
	s12 =	simm.s32 $0x1;
	s9 =	smul.u32 $0xFFFFFD80, s8  }
0x78: {  	s13 =	ssub.s32 $0x0, s3;
	_ =	swait.ge [sflag:s12], $0x2800;
	s14 =	ssub.s32 $0xFFFFFD81, s5  }
0x79: {  	p2 =	slt.s32 s5, $0xFFFFFD82;
	p5 =	sne.s32 s31, s13;
	p3 =	sne.s32 s9, s14  }
0x7a: {  	[sflag:s12] =	ssyncset.done $0x0;
	p0 =	por !p4, !p5;
	p6 =	por !p2, !p3  }
0x7b: {  	p0 =	por !p0, !p0;
	s9 =	simm.s32 $0x1;
	p1 =	por !p6, !p6  }
0x7c: {  	[sflag:s12] =	ssyncadd.s32 $0xFFFFD800;
	s9 =	simm.s32 @!p0 $0x0;
	s12 =	simm.s32 @!p1 $0x0  }
0x7d: {  	s9 =	ssub.s32 s11, s9;
	s10 =	ssub.s32 s8, s12  }
0x7e: {  	p1 =	sge.s32 s9, s10  }
.Ltmp4:
0x7f: {  	_ = 	snop;
	(pc) =	sbr.rel @p1 .LBB2_13-.Ltmp4, $3  }
0x80: {  	_ =	sdelay $0x1  }
0x81: {  	[bflag:$0x0] =	sbarrier.arrive $0xFFFF  }
0x82: {  	s8 =	sshll.u32 s0, $0xA  }
0x83: {  	s12 =	simm.s32 $0xFFFFFFFF  }
0x84: {  	s11 =	smul.u32 $0x280, s11;
	s12 =	simm.s32 @!p0 $0x0  }
0x85: {  	s12 =	smul.u32 $0x280, s12  }
0x86: {  	s13 =	simm.s32 $0x14000;
	s14 =	simm.s32 $0xE800  }
0x87: {  	s15 =	simm.s32 $0x3;
	s11 =	sadd.s32 s12, s11;
	s12 =	simm.s32 $0x1400  }
.LBB2_10:
0x88: {  	s16 =	smul.u32 $0x5000, s9;
	_ =	sdelay $0x1  }
0x89: {  	s16 =	sshra.s32 s16, $0x2  }
0x8a: {  	s16 =	sadd.s32 s16, s7  }
0x8b: {  	[tilespmem:s14], [sflag:$0x3] =	stream.strided.gather [spmem:s16], $0x2800, s13, s12, $0x38;
	[tilespmem:$0x13800] =	vst v63  }
0x8c: {  	s17 =	simm.s32 $0x0;
	s20 =	simm.s32 $0x10;
	_ =	swait.ge [sflag:s15], $0x2800  }
0x8d: {  	s18 =	sand.u32 $0x1C00, s17;
	s16 =	sand.u32 $0x70, s17;
	[sflag:s15] =	ssyncset.done $0x0  }
0x8e: {  	s19 =	simm.s32 $0x0;
	s18 =	sor.u32 s16, s18;
	[sflag:s15] =	ssyncadd.s32 $0xFFFFD800  }
.LBB2_11:
0x8f: {  	p0 =	sne.s32 s20, $0x270;
	v0 =	vld [tilespmem:s18+$0xE880]  }
0x90: {  	v1 =	vld [tilespmem:s18+$0xE800]  }
0x91: {  	v2 =	vld [tilespmem:s18+$0xE900]  }
0x92: {  	v3 =	vld [tilespmem:s18+$0xE980]  }
0x93: {  	v4 =	vld [tilespmem:s18+$0xEA00]  }
0x94: {  	s21 =	sor.u32 s19, s17;
	v5 =	vld [tilespmem:s18+$0xEA80]  }
0x95: {  	s21 =	sor.u32 $0x380, s21;
	v0 =	vadd.s32 v1, v0;
	v1 =	vld [tilespmem:s18+$0xEB00]  }
0x96: {  	v0 =	vadd.s32 v2, v0;
	v2 =	vld [tilespmem:s21+$0xE800]  }
0x97: {  	v0 =	vadd.s32 v3, v0;
	v3 =	vld [tilespmem:s18+$0xFC00]  }
0x98: {  	v0 =	vadd.s32 v4, v0;
	v4 =	vld [tilespmem:s18+$0xFC80]  }
0x99: {  	v0 =	vadd.s32 v5, v0;
	v5 =	vld [tilespmem:s18+$0xFD00]  }
0x9a: {  	v0 =	vadd.s32 v1, v0;
	v1 =	vld [tilespmem:s18+$0xFD80]  }
0x9b: {  	v0 =	vadd.s32 v2, v0;
	v2 =	vld [tilespmem:s18+$0xFE00]  }
0x9c: {  	v0 =	vadd.s32 v3, v0;
	v3 =	vld [tilespmem:s18+$0xFE80]  }
0x9d: {  	v0 =	vadd.s32 v4, v0;
	v4 =	vld [tilespmem:s18+$0xFF00]  }
0x9e: {  	v0 =	vadd.s32 v5, v0;
	v5 =	vld [tilespmem:s18+$0xFF80]  }
0x9f: {  	v0 =	vadd.s32 v1, v0  }
.Ltmp5:
0xa0: {  	v0 =	vadd.s32 v2, v0;
	(pc) =	sbr.rel @p0 .LBB2_11-.Ltmp5, $4  }
0xa1: {  	s18 =	sadd.s32 s17, s11;
	s17 =	smov.u32 s20;
	v0 =	vadd.s32 v3, v0  }
0xa2: {  	s19 =	sadd.s32 $0x80, s19;
	s18 =	sand.u32 $0xFFFFFF80, s18;
	v0 =	vadd.s32 v4, v0  }
0xa3: {  	s21 =	sand.u32 $0x1C00, s19;
	s22 =	sor.u32 s16, s18;
	s16 =	sand.u32 $0x70, s20;
	v0 =	vadd.s32 v5, v0  }
0xa4: {  	s20 =	sadd.s32 $0x10, s20;
	s18 =	sor.u32 s16, s21;
	[tilespmem:s22+$0x9F00] =	vst v0  }
0xa5: {  	v0 =	vld [tilespmem:s18+$0xE880]  }
0xa6: {  	v1 =	vld [tilespmem:s18+$0xE800]  }
0xa7: {  	v2 =	vld [tilespmem:s18+$0xE900]  }
0xa8: {  	v3 =	vld [tilespmem:s18+$0xE980]  }
0xa9: {  	v4 =	vld [tilespmem:s18+$0xEA00]  }
0xaa: {  	v5 =	vld [tilespmem:s18+$0xEA80];
	s19 =	sor.u32 s19, s17  }
0xab: {  	v54 =	vld [tilespmem:s18+$0xEB00];
	s19 =	sor.u32 $0x380, s19;
	v0 =	vadd.s32 v1, v0  }
0xac: {  	v55 =	vld [tilespmem:s19+$0xE800];
	v0 =	vadd.s32 v2, v0  }
0xad: {  	v56 =	vld [tilespmem:s18+$0xFC00];
	v0 =	vadd.s32 v3, v0  }
0xae: {  	v57 =	vld [tilespmem:s18+$0xFC80];
	v0 =	vadd.s32 v4, v0  }
0xaf: {  	v58 =	vld [tilespmem:s18+$0xFD00];
	v0 =	vadd.s32 v5, v0  }
0xb0: {  	v59 =	vld [tilespmem:s18+$0xFD80];
	v0 =	vadd.s32 v54, v0  }
0xb1: {  	v60 =	vld [tilespmem:s18+$0xFE00];
	v0 =	vadd.s32 v55, v0  }
0xb2: {  	v61 =	vld [tilespmem:s18+$0xFE80];
	v0 =	vadd.s32 v56, v0  }
0xb3: {  	v62 =	vld [tilespmem:s18+$0xFF00];
	v0 =	vadd.s32 v57, v0  }
0xb4: {  	v63 =	vld [tilespmem:s18+$0xFF80];
	s9 =	sadd.s32 $0x1, s9;
	v0 =	vadd.s32 v58, v0  }
0xb5: {  	p0 =	slt.s32 s9, s10;
	v0 =	vadd.s32 v59, v0  }
.Ltmp6:
0xb6: {  	v0 =	vadd.s32 v60, v0;
	(pc) =	sbr.rel @p0 .LBB2_10-.Ltmp6, $4  }
0xb7: {  	s31 =	sadd.s32 s17, s11;
	v0 =	vadd.s32 v61, v0  }
0xb8: {  	s17 =	sand.u32 $0xFFFFFF80, s31;
	v0 =	vadd.s32 v62, v0  }
0xb9: {  	s16 =	sor.u32 s16, s17;
	v0 =	vadd.s32 v63, v0  }
0xba: {  	s11 =	sadd.s32 $0x280, s11;
	[tilespmem:s16+$0x9F00] =	vst v0  }
.LBB2_13:
0xbb: {  	s7 =	simm.s32 $0x0  }
0xbc: {  	s9 =	sand.u32 $0x1800, s7;
	s7 =	sand.u32 $0x380, s7  }
0xbd: {  	v0 =	vimm.f32 $-Inf;
	s7 =	sor.u32 s7, s9  }
0xbe: {  	[tilespmem:s7+$0xCB70] =	vst v0  }
0xbf: {  	[tilespmem:s7+$0xC700] =	vst v0  }
0xc0: {  	[tilespmem:s7+$0xC710] =	vst v0  }
0xc1: {  	[tilespmem:s7+$0xC720] =	vst v0  }
0xc2: {  	[tilespmem:s7+$0xC730] =	vst v0  }
0xc3: {  	[tilespmem:s7+$0xC740] =	vst v0  }
0xc4: {  	[tilespmem:s7+$0xC750] =	vst v0  }
0xc5: {  	[tilespmem:s7+$0xC760] =	vst v0  }
0xc6: {  	[tilespmem:s7+$0xC770] =	vst v0  }
0xc7: {  	[tilespmem:s7+$0xCB00] =	vst v0  }
0xc8: {  	[tilespmem:s7+$0xCB10] =	vst v0  }
0xc9: {  	[tilespmem:s7+$0xCB20] =	vst v0  }
0xca: {  	[tilespmem:s7+$0xCB30] =	vst v0  }
0xcb: {  	s6 =	sadd.s32 s6, s8;
	s31 =	simm.s32 $0x100;
	s8 =	simm.s32 $0x80;
	[tilespmem:s7+$0xCB40] =	vst v0  }
0xcc: {  	s10 =	sand.u32 $0x1800, s31;
	s11 =	sand.u32 $0x380, s8;
	s9 =	simm.s32 $0x200;
	[tilespmem:s7+$0xCB50] =	vst v0  }
.LBB2_14:
0xcd: {  	p0 =	sne.s32 s9, $0x1F00;
	[tilespmem:s7+$0xCB60] =	vst v0;
	s7 =	sor.u32 s11, s10  }
0xce: {  	[tilespmem:s7+$0xCB70] =	vst v0  }
0xcf: {  	[tilespmem:s7+$0xC700] =	vst v0  }
0xd0: {  	[tilespmem:s7+$0xC710] =	vst v0  }
0xd1: {  	[tilespmem:s7+$0xC720] =	vst v0  }
0xd2: {  	[tilespmem:s7+$0xC730] =	vst v0  }
0xd3: {  	[tilespmem:s7+$0xC740] =	vst v0  }
0xd4: {  	[tilespmem:s7+$0xC750] =	vst v0  }
0xd5: {  	[tilespmem:s7+$0xC760] =	vst v0  }
0xd6: {  	[tilespmem:s7+$0xC770] =	vst v0  }
0xd7: {  	[tilespmem:s7+$0xCB00] =	vst v0  }
.Ltmp7:
0xd8: {  	[tilespmem:s7+$0xCB10] =	vst v0;
	(pc) =	sbr.rel @p0 .LBB2_14-.Ltmp7, $4  }
0xd9: {  	[tilespmem:s7+$0xCB20] =	vst v0  }
0xda: {  	[tilespmem:s7+$0xCB30] =	vst v0  }
0xdb: {  	s8 =	sadd.s32 $0x80, s8;
	[tilespmem:s7+$0xCB40] =	vst v0  }
0xdc: {  	s10 =	sand.u32 $0x1800, s9;
	s9 =	sadd.s32 $0x100, s9;
	s11 =	sand.u32 $0x380, s8;
	[tilespmem:s7+$0xCB50] =	vst v0  }
0xdd: {  	s9 =	sor.u32 s11, s10;
	[tilespmem:s7+$0xCB60] =	vst v0  }
0xde: {  	[tilespmem:s9+$0xCB70] =	vst v0  }
0xdf: {  	[tilespmem:s9+$0xC700] =	vst v0  }
0xe0: {  	[tilespmem:s9+$0xC710] =	vst v0  }
0xe1: {  	[tilespmem:s9+$0xC720] =	vst v0  }
0xe2: {  	[tilespmem:s9+$0xC730] =	vst v0  }
0xe3: {  	[tilespmem:s9+$0xC740] =	vst v0  }
0xe4: {  	[tilespmem:s9+$0xC750] =	vst v0  }
0xe5: {  	[tilespmem:s9+$0xC760] =	vst v0  }
0xe6: {  	s8 =	sadd.s32 $0xF, s5;
	[tilespmem:s9+$0xC770] =	vst v0  }
0xe7: {  	s7 =	sshra.s32 s3, $0x4;
	[tilespmem:s9+$0xCB00] =	vst v0;
	s8 =	sshra.s32 s8, $0x4  }
0xe8: {  	[tilespmem:s9+$0xCB10] =	vst v0;
	p0 =	sge.s32 s7, s8  }
.Ltmp8:
0xe9: {  	[tilespmem:s9+$0xCB20] =	vst v0;
	(pc) =	sbr.rel @p0 .LBB2_22-.Ltmp8, $4  }
0xea: {  	[tilespmem:s9+$0xCB30] =	vst v0  }
0xeb: {  	[tilespmem:s9+$0xCB40] =	vst v0  }
0xec: {  	[tilespmem:s9+$0xCB50] =	vst v0  }
0xed: {  	[tilespmem:s9+$0xCB60] =	vst v0  }
.Ltmp9:
0xee: {  	(pc) =	sbr.rel .LBB2_17-.Ltmp9, $4  }
0xef: {  	s9 =	sshll.u32 s7, $0x6  }
0xf0: {  	s11 =	sshll.u32 s7, $0x4;
	s13 =	simm.s32 $0x80;
	s14 =	simm.s32 $0x400  }
0xf1: {  	s15 =	simm.s32 $0xE700;
	s16 =	simm.s32 $0x3;
	s12 =	sshra.s32 s9, $0x2  }
0xf2: {  	v0 =	vmov s3;
	v1 =	vmov s5;
	v2 =	vlaneseq.u32;
	s9 =	sshll.u32 s7, $0xC;
	s10 =	sadd.s32 $0x7700, s12;
	s12 =	sadd.s32 $0x9F00, s12  }
.LBB2_21:
0xf3: {  	s7 =	sadd.s32 $0x1, s7  }
0xf4: {  	p0 =	sne.s32 s7, s8  }
.Ltmp10:
0xf5: {  	_ = 	snop;
	(pc) =	sbr.rel @!p0 .LBB2_22-.Ltmp10, $3  }
0xf6: {  	_ =	sdelay $0x1  }
0xf7: {  	s9 =	sadd.s32 $0x1000, s9  }
0xf8: {  	s10 =	sadd.s32 $0x10, s10;
	s11 =	sadd.s32 $0x10, s11;
	s12 =	sadd.s32 $0x10, s12  }
.LBB2_17:
0xf9: {  	s17 =	sshll.u32 s7, $0x4  }
0xfa: {  	v3 =	vld [tilespmem:s17+$0x9F00];
	_ =	sdelay $0x3  }
0xfb: {  	v4 =	vor.u32 s17, v2  }
0xfc: {  	vm1 =	vge.s32 v4, v0;
	vm0 =	veq.s32 v3, $0x0  }
0xfd: {  	vm15 =	vlt.s32 v4, v1;
	vm0 =	vmand vm1, vm0  }
0xfe: {  	vm0 =	vmand vm15, vm0  }
0xff: {  	v3 =	vmpcnt.ones.xlane vm0;
	_ =	sdelay $0x1  }
0x100: {  	v3 =	vxor.u32 $0x80000000, v3  }
0x101: {  	(xrf0) =	vmax.scan.msk.u32 $0xffff, v3;
	_ =	sdelay $0x5  }
0x102: {  	v3, _, _ =	vpop (xrf0)  }
0x103: {  	(v2sf) =	vpush v3, $0xF;
	_ =	sdelay $0xe  }
0x104: {  	s31 =	spop (v2sf)  }
0x105: {  	p0 =	slt.u32 s31, $0x80000001  }
.Ltmp11:
0x106: {  	_ = 	snop;
	(pc) =	sbr.rel @p0 .LBB2_21-.Ltmp11, $4  }
.Ltmp12:
0x107: {  	_ = 	snop;
	(pc) =	sbr.rel @!p0 .LBB2_18-.Ltmp12, $4  }
0x108: {  	_ = 	snop  }
0x109: {  	s18 =	smov.u32 s12;
	s19 =	smov.u32 s11  }
0x10a: {  	s20 =	smov.u32 s10;
	s21 =	smov.u32 s9;
	s17 =	simm.s32 $0x0  }
0x10b: {  	_ = 	snop  }
.LBB2_20:
0x10c: {  	s17 =	sadd.s32 $0x80, s17  }
0x10d: {  	p0 =	sne.s32 s17, $0x800  }
.Ltmp13:
0x10e: {  	_ = 	snop;
	(pc) =	sbr.rel @!p0 .LBB2_21-.Ltmp13, $3  }
0x10f: {  	_ =	sdelay $0x1  }
0x110: {  	s21 =	sadd.s32 $0x100, s21  }
0x111: {  	s20 =	sadd.s32 $0x1, s20;
	s19 =	sadd.s32 $0x1, s19;
	s18 =	sadd.s32 $0x1, s18  }
.LBB2_18:
0x112: {  	v3 =	vld [tilespmem:s18+$0x0];
	_ =	sdelay $0x4  }
0x113: {  	(v2sf) =	vpush v3, $0x0;
	_ =	sdelay $0xc  }
0x114: {  	p0 =	slt.s32 s19, s3  }
0x115: {  	p1 =	sge.s32 @!p0 s19, s5  }
0x116: {  	p0 =	por p0, p1;
	s22 =	spop (v2sf)  }
0x117: {  	p1 =	sne.s32 @!p0 s22, $0x0  }
0x118: {  	p0 =	por p0, p1  }
.Ltmp14:
0x119: {  	_ = 	snop;
	(pc) =	sbr.rel @p0 .LBB2_20-.Ltmp14, $1  }
0x11a: {  	_ =	sdelay $0x3  }
0x11b: {  	v3 =	vld [tilespmem:s20+$0x0];
	_ =	sdelay $0x4  }
0x11c: {  	(v2sf) =	vpush v3, $0x0;
	_ =	sdelay $0x9  }
0x11d: {  	s22 =	sand.u32 $0xFFFFF800, s21;
	s23 =	sand.u32 $0x380, s17  }
0x11e: {  	s22 =	sor.u32 s23, s22  }
0x11f: {  	s22 =	sshrl.u32 s22, $0x3  }
0x120: {  	s22 =	sadd.s32 s2, s22  }
0x121: {  	[tilespmem:s15], [sflag:$0x3] =	stream.strided.gather [hbm4b:s22+s13], $0x100, s14, s13, $0x38;
	[tilespmem:$0x13800] =	vst v63  }
0x122: {  	s30 =	spop (v2sf)  }
0x123: {  	s24 =	ssub.s32 s30, s4;
	_ =	swait.ge [sflag:s16], $0x100  }
0x124: {  	s23 =	sshll.u32 s30, $0x7;
	s31 =	sshll.u32 s24, $0x8;
	[sflag:s16] =	ssyncset.done $0x0  }
0x125: {  	s23 =	sand.u32 $0x380, s23;
	s22 =	sand.u32 $0xFFFFF800, s31;
	[sflag:s16] =	ssyncadd.s32 $0xFFFFFF00  }
0x126: {  	s22 =	sor.u32 s23, s22;
	v4 =	vld [tilespmem:$0xE700]  }
0x127: {  	v3 =	vld [tilespmem:s22+$0xC700];
	_ =	sdelay $0x4  }
0x128: {  	v3 =	vmax.f32 v3, v4  }
0x129: {  	[tilespmem:s22+$0xC700] =	vst v3;
	v3 =	vld [tilespmem:s22+$0xC710]  }
0x12a: {  	v49 =	vld [tilespmem:$0xE710];
	_ =	sdelay $0x4  }
0x12b: {  	v3 =	vmax.f32 v3, v49  }
0x12c: {  	[tilespmem:s22+$0xC710] =	vst v3;
	v3 =	vld [tilespmem:s22+$0xC720]  }
0x12d: {  	v50 =	vld [tilespmem:$0xE720];
	_ =	sdelay $0x4  }
0x12e: {  	v3 =	vmax.f32 v3, v50  }
0x12f: {  	[tilespmem:s22+$0xC720] =	vst v3;
	v3 =	vld [tilespmem:s22+$0xC730]  }
0x130: {  	v51 =	vld [tilespmem:$0xE730];
	_ =	sdelay $0x4  }
0x131: {  	v3 =	vmax.f32 v3, v51  }
0x132: {  	[tilespmem:s22+$0xC730] =	vst v3;
	v3 =	vld [tilespmem:s22+$0xC740]  }
0x133: {  	v52 =	vld [tilespmem:$0xE740];
	_ =	sdelay $0x4  }
0x134: {  	v3 =	vmax.f32 v3, v52  }
0x135: {  	[tilespmem:s22+$0xC740] =	vst v3;
	v3 =	vld [tilespmem:s22+$0xC750]  }
0x136: {  	v53 =	vld [tilespmem:$0xE750];
	_ =	sdelay $0x4  }
0x137: {  	v3 =	vmax.f32 v3, v53  }
0x138: {  	[tilespmem:s22+$0xC750] =	vst v3;
	v3 =	vld [tilespmem:s22+$0xC760]  }
0x139: {  	v54 =	vld [tilespmem:$0xE760];
	_ =	sdelay $0x4  }
0x13a: {  	v3 =	vmax.f32 v3, v54  }
0x13b: {  	[tilespmem:s22+$0xC760] =	vst v3;
	v3 =	vld [tilespmem:s22+$0xC770]  }
0x13c: {  	v55 =	vld [tilespmem:$0xE770];
	_ =	sdelay $0x4  }
0x13d: {  	v3 =	vmax.f32 v3, v55  }
0x13e: {  	[tilespmem:s22+$0xC770] =	vst v3;
	v3 =	vld [tilespmem:s22+$0xCB00]  }
0x13f: {  	v56 =	vld [tilespmem:$0xE780];
	_ =	sdelay $0x4  }
0x140: {  	v3 =	vmax.f32 v3, v56  }
0x141: {  	[tilespmem:s22+$0xCB00] =	vst v3;
	v3 =	vld [tilespmem:s22+$0xCB10]  }
0x142: {  	v57 =	vld [tilespmem:$0xE790];
	_ =	sdelay $0x4  }
0x143: {  	v3 =	vmax.f32 v3, v57  }
0x144: {  	[tilespmem:s22+$0xCB10] =	vst v3;
	v3 =	vld [tilespmem:s22+$0xCB20]  }
0x145: {  	v58 =	vld [tilespmem:$0xE7A0];
	_ =	sdelay $0x4  }
0x146: {  	v3 =	vmax.f32 v3, v58  }
0x147: {  	[tilespmem:s22+$0xCB20] =	vst v3;
	v3 =	vld [tilespmem:s22+$0xCB30]  }
0x148: {  	v59 =	vld [tilespmem:$0xE7B0];
	_ =	sdelay $0x4  }
0x149: {  	v3 =	vmax.f32 v3, v59  }
0x14a: {  	[tilespmem:s22+$0xCB30] =	vst v3;
	v3 =	vld [tilespmem:s22+$0xCB40]  }
0x14b: {  	v60 =	vld [tilespmem:$0xE7C0];
	_ =	sdelay $0x4  }
0x14c: {  	v3 =	vmax.f32 v3, v60  }
0x14d: {  	[tilespmem:s22+$0xCB40] =	vst v3;
	v3 =	vld [tilespmem:s22+$0xCB50]  }
0x14e: {  	v61 =	vld [tilespmem:$0xE7D0];
	_ =	sdelay $0x4  }
0x14f: {  	v3 =	vmax.f32 v3, v61  }
0x150: {  	[tilespmem:s22+$0xCB50] =	vst v3;
	v3 =	vld [tilespmem:s22+$0xCB60]  }
0x151: {  	v62 =	vld [tilespmem:$0xE7E0];
	_ =	sdelay $0x4  }
0x152: {  	v3 =	vmax.f32 v3, v62  }
0x153: {  	[tilespmem:s22+$0xCB60] =	vst v3;
	v3 =	vld [tilespmem:s22+$0xCB70]  }
0x154: {  	v63 =	vld [tilespmem:$0xE7F0];
	_ =	sdelay $0x1  }
.Ltmp15:
0x155: {  	_ = 	snop;
	(pc) =	sbr.rel .LBB2_20-.Ltmp15, $3  }
0x156: {  	_ =	sdelay $0x1  }
0x157: {  	v3 =	vmax.f32 v3, v63  }
0x158: {  	[tilespmem:s22+$0xCB70] =	vst v3  }
.LBB2_22:
0x159: {  	s2 =	simm.s32 $0x0  }
0x15a: {  	s3 =	sand.u32 $0x1800, s2;
	s2 =	sand.u32 $0x380, s2  }
0x15b: {  	s2 =	sor.u32 s2, s3  }
0x15c: {  	v0 =	vld [tilespmem:s2+$0xC700]  }
0x15d: {  	v1 =	vld [tilespmem:s2+$0xC710]  }
0x15e: {  	v2 =	vld [tilespmem:s2+$0xC720]  }
0x15f: {  	v4 =	vld [tilespmem:s2+$0xC730]  }
0x160: {  	v5 =	vld [tilespmem:s2+$0xC740]  }
0x161: {  	v6 =	vld [tilespmem:s2+$0xC750];
	vm0 =	veq.f32 v0, $-Inf  }
0x162: {  	v7 =	vld [tilespmem:s2+$0xC760];
	v0 =	vsel vm0, $0x0, v0;
	vm0 =	veq.f32 v1, $-Inf  }
0x163: {  	v8 =	vld [tilespmem:s2+$0xC770];
	[tilespmem:s2+$0xC700] =	vst v0;
	v0 =	vsel vm0, $0x0, v1;
	vm0 =	veq.f32 v2, $-Inf  }
0x164: {  	v3 =	vld [tilespmem:s2+$0xCB00];
	[tilespmem:s2+$0xC710] =	vst v0;
	v0 =	vsel vm0, $0x0, v2;
	vm0 =	veq.f32 v4, $-Inf  }
0x165: {  	v1 =	vld [tilespmem:s2+$0xCB10];
	[tilespmem:s2+$0xC720] =	vst v0;
	v0 =	vsel vm0, $0x0, v4;
	vm0 =	veq.f32 v5, $-Inf  }
0x166: {  	[tilespmem:s2+$0xC730] =	vst v0;
	v2 =	vsel vm0, $0x0, v5;
	vm0 =	veq.f32 v6, $-Inf;
	v0 =	vld [tilespmem:s2+$0xCB20]  }
0x167: {  	[tilespmem:s2+$0xC740] =	vst v2;
	v4 =	vsel vm0, $0x0, v6;
	vm0 =	veq.f32 v7, $-Inf;
	v2 =	vld [tilespmem:s2+$0xCB30]  }
0x168: {  	[tilespmem:s2+$0xC750] =	vst v4;
	v5 =	vsel vm0, $0x0, v7;
	vm0 =	veq.f32 v8, $-Inf;
	v4 =	vld [tilespmem:s2+$0xCB40]  }
0x169: {  	s4 =	simm.s32 $0x100;
	s3 =	simm.s32 $0x80;
	[tilespmem:s2+$0xC760] =	vst v5;
	v6 =	vsel vm0, $0x0, v8;
	vm0 =	veq.f32 v3, $-Inf;
	v5 =	vld [tilespmem:s2+$0xCB50]  }
.LBB2_23:
0x16a: {  	s5 =	sand.u32 $0x1800, s4;
	s7 =	sand.u32 $0x380, s3;
	p0 =	sne.s32 s4, $0x1F00;
	[tilespmem:s2+$0xC770] =	vst v6;
	v3 =	vsel vm0, $0x0, v3;
	vm0 =	veq.f32 v1, $-Inf;
	v6 =	vld [tilespmem:s2+$0xCB60]  }
0x16b: {  	s5 =	sor.u32 s7, s5;
	[tilespmem:s2+$0xCB00] =	vst v3;
	v1 =	vsel vm0, $0x0, v1;
	vm0 =	veq.f32 v0, $-Inf;
	v3 =	vld [tilespmem:s2+$0xCB70]  }
0x16c: {  	v7 =	vld [tilespmem:s5+$0xC700];
	[tilespmem:s2+$0xCB10] =	vst v1;
	v0 =	vsel vm0, $0x0, v0;
	vm0 =	veq.f32 v2, $-Inf  }
0x16d: {  	v1 =	vld [tilespmem:s5+$0xC710];
	[tilespmem:s2+$0xCB20] =	vst v0;
	v0 =	vsel vm0, $0x0, v2;
	vm0 =	veq.f32 v4, $-Inf  }
0x16e: {  	v2 =	vld [tilespmem:s5+$0xC720];
	[tilespmem:s2+$0xCB30] =	vst v0;
	v0 =	vsel vm0, $0x0, v4;
	vm0 =	veq.f32 v5, $-Inf  }
0x16f: {  	v4 =	vld [tilespmem:s5+$0xC730];
	[tilespmem:s2+$0xCB40] =	vst v0;
	v0 =	vsel vm0, $0x0, v5;
	vm0 =	veq.f32 v6, $-Inf  }
0x170: {  	v5 =	vld [tilespmem:s5+$0xC740];
	[tilespmem:s2+$0xCB50] =	vst v0;
	v0 =	vsel vm0, $0x0, v6;
	vm0 =	veq.f32 v3, $-Inf  }
0x171: {  	vm1 =	veq.f32 v7, $-Inf;
	v6 =	vld [tilespmem:s5+$0xC750];
	[tilespmem:s2+$0xCB60] =	vst v0;
	v0 =	vsel vm0, $0x0, v3  }
0x172: {  	v3 =	vsel vm1, $0x0, v7;
	vm0 =	veq.f32 v1, $-Inf;
	v7 =	vld [tilespmem:s5+$0xC760];
	[tilespmem:s2+$0xCB70] =	vst v0;
	s2 =	smov.u32 s5  }
0x173: {  	[tilespmem:s2+$0xC700] =	vst v3;
	v0 =	vsel vm0, $0x0, v1;
	vm0 =	veq.f32 v2, $-Inf;
	v8 =	vld [tilespmem:s2+$0xC770]  }
0x174: {  	[tilespmem:s2+$0xC710] =	vst v0;
	v0 =	vsel vm0, $0x0, v2;
	vm0 =	veq.f32 v4, $-Inf;
	v3 =	vld [tilespmem:s2+$0xCB00]  }
.Ltmp16:
0x175: {  	[tilespmem:s2+$0xC720] =	vst v0;
	v0 =	vsel vm0, $0x0, v4;
	vm0 =	veq.f32 v5, $-Inf;
	v1 =	vld [tilespmem:s2+$0xCB10];
	(pc) =	sbr.rel @p0 .LBB2_23-.Ltmp16, $4  }
0x176: {  	[tilespmem:s2+$0xC730] =	vst v0;
	v2 =	vsel vm0, $0x0, v5;
	vm0 =	veq.f32 v6, $-Inf;
	v0 =	vld [tilespmem:s2+$0xCB20]  }
0x177: {  	[tilespmem:s2+$0xC740] =	vst v2;
	v4 =	vsel vm0, $0x0, v6;
	vm0 =	veq.f32 v7, $-Inf;
	v2 =	vld [tilespmem:s2+$0xCB30]  }
0x178: {  	[tilespmem:s2+$0xC750] =	vst v4;
	v5 =	vsel vm0, $0x0, v7;
	vm0 =	veq.f32 v8, $-Inf;
	v4 =	vld [tilespmem:s2+$0xCB40]  }
0x179: {  	s3 =	sadd.s32 $0x80, s3;
	s4 =	sadd.s32 $0x100, s4;
	[tilespmem:s2+$0xC760] =	vst v5;
	v6 =	vsel vm0, $0x0, v8;
	vm0 =	veq.f32 v3, $-Inf;
	v5 =	vld [tilespmem:s2+$0xCB50]  }
0x17a: {  	[tilespmem:s2+$0xC770] =	vst v6;
	v3 =	vsel vm0, $0x0, v3;
	vm9 =	veq.f32 v1, $-Inf;
	v57 =	vld [tilespmem:s2+$0xCB60]  }
0x17b: {  	v58 =	vld [tilespmem:s2+$0xCB70];
	[tilespmem:s2+$0xCB00] =	vst v3;
	v1 =	vsel vm9, $0x0, v1;
	vm10 =	veq.f32 v0, $-Inf  }
0x17c: {  	[tilespmem:s2+$0xCB10] =	vst v1;
	v0 =	vsel vm10, $0x0, v0;
	vm11 =	veq.f32 v2, $-Inf  }
0x17d: {  	[tilespmem:s2+$0xCB20] =	vst v0;
	v59 =	vsel vm11, $0x0, v2;
	vm12 =	veq.f32 v4, $-Inf  }
0x17e: {  	[tilespmem:s2+$0xCB30] =	vst v59;
	v60 =	vsel vm12, $0x0, v4;
	vm13 =	veq.f32 v5, $-Inf  }
0x17f: {  	[tilespmem:s2+$0xCB40] =	vst v60;
	v61 =	vsel vm13, $0x0, v5;
	vm14 =	veq.f32 v57, $-Inf  }
0x180: {  	vm15 =	veq.f32 v58, $-Inf;
	[tilespmem:s2+$0xCB50] =	vst v61;
	v62 =	vsel vm14, $0x0, v57  }
0x181: {  	v63 =	vsel vm15, $0x0, v58;
	[tilespmem:s2+$0xCB60] =	vst v62  }
0x182: {  	s30 =	simm.s32 $0x0;
	s3 =	simm.s32 $0xC700;
	s31 =	simm.s32 $0x3;
	[tilespmem:s2+$0xCB70] =	vst v63  }
0x183: {  	[hbm4b:s6+s30] =	stream.linear.scatter [tilespmem:s3], [sflag:$0x3], $0x2000, $0x38;
	[tilespmem:$0x13800] =	vst v63  }
0x184: {  	_ =	swait.ge [sflag:s31], $0x2000  }
0x185: {  	[sflag:s31] =	ssyncset.done $0x0  }
0x186: {  	[sflag:s31] =	ssyncadd.s32 $0xFFFFE000  }
0x187: {  	_ =	sfence.sel $0x180000  }
0x188: {  	[bflag:$0x0] =	sbarrier.arrive $0xFFFF  }
0x189: {  	p0 =	sne.s32 s0, $0x0;
	_ =	strace $0x90000047  }
0x18a: {  	s0 =	sadd.s32 @!p0 $0x100000, s1;
	[bflag:$0x2] =	sbarrier.arrive $0xFFFF  }
0x18b: {  	[sflag:s0] =	ssyncadd.tile.s32 @!p0 $0x1;
	_ =	shalt  }
.Lfunc_end2:
_tile_overlayer_lowered:
.L_overlay_start_2:
0x18c: {  	(tag) =	ssettag $0x2  }
0x18d: {  	s0 =	rddreg [dreg:$0x0];
	s2 =	stileid.u32  }
0x18e: {  	s1 =	rddreg [dreg:$0x1];
	p0 =	sne.s32 s2, $0x0  }
0x18f: {  	s3 =	rddreg [dreg:$0x2];
	[bflag:$0x3] =	sbarrier.arrive $0xFFFF;
	s2 =	simm.s32 @!p0 $0x1C03  }
0x190: {  	[timem:s3], [sflag:s2] =	dma.local @!p0 [hbm:s0], s1  }
0x191: {  	s0 =	simm.s32 @!p0 $0x3  }
0x192: {  	_ =	swait.ge @!p0 [sflag:s0], s1  }
0x193: {  	s1 =	ssub.s32 @!p0 $0x0, s1;
	[sflag:s0] =	ssyncset.done @!p0 $0x0  }
0x194: {  	[sflag:s0] =	ssyncadd.s32 @!p0 s1  }
0x195: {  	[bflag:$0x3] =	sbarrier.arrive $0xFFFF  }
0x196: {  	_ =	shalt  }

</sc_bundles>
